<compile_context>
chip_gen: v7x
topology: tpu7x:2x2x1
jax: 0.10.2.dev20260603
libtpu: 0.0.44.dev20260713+nightly
codegen_flags: <defaults>
</compile_context>

<pallas_src>
import functools

import jax
import jax.numpy as jnp
from jax import lax
from jax.experimental import pallas as pl
from jax.experimental.pallas import tpu as pltpu
from jax.experimental.pallas import tpu_sc as plsc

BATCH = 512
CW_DIM = 1024
Z_DIM = 512
H_DIM = 1024
C = 64
K = 512
D = 16

_BT = 128
_CG = 8

_SC_CORES = 1
_NW = 16 * _SC_CORES
_ROWS = BATCH * C
_BPW = _ROWS // _NW
_CHUNK = 128
_NCH = _BPW // _CHUNK


def _fused_body(x_ref, w1, b1, w2, b2, w3, b3, w4, b4, wg_ref, mask_ref,
                iota_ref,
                mu_ref, lv_ref, dist_ref, idx_ref, cw_s):
    ci = pl.program_id(1)
    f32 = jnp.float32

    @pl.when(ci == 0)
    def _mlp():
        h = jnp.maximum(jnp.dot(x_ref[...], w1[...], preferred_element_type=f32) + b1[...], 0.0)
        enc = jnp.dot(h, w2[...], preferred_element_type=f32) + b2[...]
        mu = enc[:, :Z_DIM]
        hd = jnp.maximum(jnp.dot(mu, w3[...], preferred_element_type=f32) + b3[...], 0.0)
        cw = jnp.dot(hd, w4[...], preferred_element_type=f32) + b4[...]
        mu_ref[...] = mu
        lv_ref[...] = enc[:, Z_DIM:]
        for g in range(C // _CG):
            cw_s[g] = cw[:, (g * _CG * D):((g + 1) * _CG * D)]

    cw_g = cw_s[ci]
    wg = wg_ref[0]
    a = (jnp.broadcast_to(cw_g[:, None, :], (_BT, _CG, _CG * D))
         .reshape(_BT * _CG, _CG * D) * mask_ref[...])
    cross = jnp.dot(a, wg, preferred_element_type=f32)
    x_sq = jnp.dot(a * a, jnp.ones((_CG * D, 1), f32),
                   preferred_element_type=f32)
    w2g = wg * wg
    b_sq = jnp.sum(w2g.reshape(_CG, D, K), axis=1)
    dist = (x_sq.reshape(_BT, _CG, 1) + b_sq[None, :, :]
            - 2.0 * cross.reshape(_BT, _CG, K))
    dist_ref[...] = dist
    m = jnp.min(dist, axis=2, keepdims=True)
    iota = iota_ref[...]
    first_min = jnp.min(jnp.where(dist == m, iota, float(K)), axis=2)
    crow = lax.broadcasted_iota(jnp.int32, (_BT, _CG), 1) + ci * _CG
    idx_val = first_min.astype(jnp.int32) + crow * K
    for k in range(C // _CG):
        @pl.when(ci == k)
        def _store_idx(k=k, idx_val=idx_val):
            idx_ref[:, (k * _CG):((k + 1) * _CG)] = idx_val


def _fused(x, W1, b1r, W2, b2r, W3, b3r, W4, b4r, wstack, mask):
    grid = (BATCH // _BT, C // _CG)
    const2 = lambda shape: pl.BlockSpec(shape, lambda bi, ci: (0, 0))
    call = pl.pallas_call(
        _fused_body,
        grid=grid,
        in_specs=[
            pl.BlockSpec((_BT, CW_DIM), lambda bi, ci: (bi, 0)),
            const2((CW_DIM, H_DIM)), const2((1, H_DIM)),
            const2((H_DIM, 2 * Z_DIM)), const2((1, 2 * Z_DIM)),
            const2((Z_DIM, H_DIM)), const2((1, H_DIM)),
            const2((H_DIM, CW_DIM)), const2((1, CW_DIM)),
            pl.BlockSpec((1, _CG * D, K), lambda bi, ci: (ci, 0, 0)),
            const2((_BT * _CG, _CG * D)),
            pl.BlockSpec((1, 1, K), lambda bi, ci: (0, 0, 0)),
        ],
        out_specs=[
            pl.BlockSpec((_BT, Z_DIM), lambda bi, ci: (bi, 0)),
            pl.BlockSpec((_BT, Z_DIM), lambda bi, ci: (bi, 0)),
            pl.BlockSpec((_BT, _CG, K), lambda bi, ci: (bi, ci, 0)),
            pl.BlockSpec((_BT, C), lambda bi, ci: (bi, 0)),
        ],
        out_shape=[
            jax.ShapeDtypeStruct((BATCH, Z_DIM), jnp.float32),
            jax.ShapeDtypeStruct((BATCH, Z_DIM), jnp.float32),
            jax.ShapeDtypeStruct((BATCH, C, K), jnp.float32),
            jax.ShapeDtypeStruct((BATCH, C), jnp.int32),
        ],
        scratch_shapes=[pltpu.VMEM((C // _CG, _BT, _CG * D), jnp.float32)],
    )
    iota = lax.broadcasted_iota(jnp.float32, (1, 1, K), 2)
    return call(x, W1, b1r, W2, b2r, W3, b3r, W4, b4r, wstack, mask, iota)


def _sc_gather(table, idx2d):
    mesh = plsc.VectorSubcoreMesh(core_axis_name="c", subcore_axis_name="s",
                                  num_cores=_SC_CORES)

    @functools.partial(
        pl.kernel,
        mesh=mesh,
        compiler_params=pltpu.CompilerParams(use_tc_tiling_on_sc=False),
        out_type=jax.ShapeDtypeStruct((_ROWS, D), jnp.float32),
        scratch_types=[
            pltpu.VMEM((_NCH, _CHUNK), jnp.int32),
            pltpu.VMEM((_BPW, D), jnp.float32),
            pltpu.SemaphoreType.DMA,
        ],
    )
    def gather_kernel(table_hbm, idx_hbm, out_hbm, idx_v, rows_v, sem):
        wid = lax.axis_index("s") * _SC_CORES + lax.axis_index("c")
        pltpu.sync_copy(idx_hbm.at[pl.ds(wid * _NCH, _NCH)], idx_v)
        copies = []
        for j in range(_NCH):
            copies.append(pltpu.async_copy(
                table_hbm.at[idx_v.at[j]],
                rows_v.at[pl.ds(j * _CHUNK, _CHUNK)], sem))
        for cp in copies:
            cp.wait()
        pltpu.sync_copy(rows_v, out_hbm.at[pl.ds(wid * _BPW, _BPW)])

    return gather_kernel(table, idx2d)


def kernel(x, W1, b1, W2, b2, W3, b3, W4, b4, codebook):
    cbt = codebook.transpose(0, 2, 1)
    wstack = cbt.reshape(C // _CG, _CG * D, K)
    mask = (lax.broadcasted_iota(jnp.int32, (_BT * _CG, _CG * D), 1) // D
            == lax.broadcasted_iota(jnp.int32, (_BT * _CG, _CG * D), 0) % _CG
            ).astype(jnp.float32)
    mu, lv, cw_dist, idx_bc = _fused(
        x, W1, b1.reshape(1, -1), W2, b2.reshape(1, -1),
        W3, b3.reshape(1, -1), W4, b4.reshape(1, -1), wstack, mask)
    flat_idx = idx_bc.reshape(_ROWS // _CHUNK, _CHUNK)
    table = codebook.reshape(C * K, D)
    closest = _sc_gather(table, flat_idx).reshape(BATCH, C * D)
    return (mu, lv, mu, cw_dist, closest)

# --- scband reference (transcript-rebuilt; emitter-appended) ---
"""Pipeline reference for scband-vaecw-65034394796673 (READ-ONLY COPY).

The authoritative reference and input builder live on the scoring server;
editing this copy changes nothing except your own understanding.
"""

import jax, jax.numpy as jnp
import numpy as np

BATCH = 512
CW_DIM = 1024
Z_DIM = 512
H_DIM = 1024
DIM_CODES = 64
BOOK_SIZE = 512
DIM_EMBED = 16


def _linear_init(key, fan_in, shape):
    b = 1.0 / np.sqrt(fan_in)
    return jax.random.uniform(key, shape, jnp.float32, -b, b)


def setup_inputs(seed: int = 0) -> dict:
    key = jax.random.key(seed)
    ks = jax.random.split(key, 10)
    return {
        "x": jax.random.normal(ks[0], (BATCH, CW_DIM), jnp.float32),
        "W1": _linear_init(ks[1], CW_DIM, (CW_DIM, H_DIM)),
        "b1": _linear_init(ks[2], CW_DIM, (H_DIM,)),
        "W2": _linear_init(ks[3], H_DIM, (H_DIM, 2 * Z_DIM)),
        "b2": _linear_init(ks[4], H_DIM, (2 * Z_DIM,)),
        "W3": _linear_init(ks[5], Z_DIM, (Z_DIM, H_DIM)),
        "b3": _linear_init(ks[6], Z_DIM, (H_DIM,)),
        "W4": _linear_init(ks[7], H_DIM, (H_DIM, CW_DIM)),
        "b4": _linear_init(ks[8], H_DIM, (CW_DIM,)),
        "codebook": jax.random.normal(ks[9], (DIM_CODES, BOOK_SIZE, DIM_EMBED), jnp.float32),
    }


def _dist(cw_recon, codebook):
    # Faithful to torch: x2=(B*C,1,D) vs book=(B*C,K,D) pairwise square distance.
    # Implemented with per-code broadcasting (identical math, avoids materializing
    # the batch-tiled codebook).
    batch = cw_recon.shape[0]
    xr = cw_recon.reshape(batch, DIM_CODES, DIM_EMBED)
    x_sq = jnp.sum(xr ** 2, axis=-1)[:, :, None]                      # (B, C, 1)
    b_sq = jnp.sum(codebook ** 2, axis=-1)[None, :, :]                # (1, C, K)
    cross = jnp.einsum('bcd,ckd->bck', xr, codebook)                  # (B, C, K)
    dist = x_sq + b_sq - 2.0 * cross                                  # (B, C, K)
    idx = jnp.argmin(dist, axis=2)                                    # (B, C)
    closest = codebook[jnp.arange(DIM_CODES)[None, :], idx]           # (B, C, D)
    closest = closest.reshape(batch, DIM_CODES * DIM_EMBED)
    cw_dist = dist                                                    # == dist.sum over singleton axis
    return cw_dist, closest


def reference(x, W1, b1, W2, b2, W3, b3, W4, b4, codebook):
    # encoder
    h = jax.nn.relu(x @ W1 + b1)
    enc = h @ W2 + b2
    mu, log_var = jnp.split(enc, 2, axis=1)
    z = mu  # eval-mode sampling: z = mu
    # decoder
    hd = jax.nn.relu(z @ W3 + b3)
    cw_recon = hd @ W4 + b4
    cw_dist, closest = _dist(cw_recon, codebook)
    return (mu, log_var, z, cw_dist, closest)

if __name__ == "__main__":
    import jax
    _d = setup_inputs()
    print(jax.jit(kernel)(*tuple(_d.values())))

</pallas_src>

<mosaic_0001>
#map = affine_map<(d0, d1) -> (0, 0)>
module attributes {stable_mosaic.version = 14 : i64} {
  func.func @gather_kernel(%arg0: i32, %arg1: i32, %arg2: memref<32768x16xf32, #tpu.memory_space<hbm>>, %arg3: memref<256x128xi32, #tpu.memory_space<hbm>>, %arg4: memref<32768x16xf32, #tpu.memory_space<hbm>>, %arg5: memref<16x128xi32, #tpu.memory_space<vmem>>, %arg6: memref<2048x16xf32, #tpu.memory_space<vmem>>, %arg7: memref<!tpu.dma_semaphore, #tpu.memory_space<semaphore_mem>>) attributes {dimension_semantics = [#tpu.dimension_semantics<core_parallel>, #tpu.dimension_semantics<subcore_parallel>], iteration_bounds = array<i64: 1, 16>, scalar_prefetch = 0 : i64, scratch_operands = 3 : i64, tpu.core_type = #tpu.core_type<sc_vector_subcore>, window_params = [{transform_indices = #map}, {transform_indices = #map}, {transform_indices = #map}]} {
    %mul3A = arith.constant 1 : i32
    %mul3A_0 = arith.muli %arg1, %mul3A : i32
    %add3A = arith.addi %mul3A_0, %arg0 : i32
    %mul3A_1 = arith.constant 16 : i32
    %mul3A_2 = arith.muli %add3A, %mul3A_1 : i32
    "tpu.region"() ({
      %run_scoped3A = tpu.sem_alloc : memref<!tpu.dma_semaphore, #tpu.memory_space<semaphore_mem>>
      %dma_start3A_323 = arith.constant 0 : i32
      %dma_start3A_324 = tpu.memref_slice %arg3[%mul3A_2, %dma_start3A_323] : memref<256x128xi32, #tpu.memory_space<hbm>> -> memref<16x128xi32, #tpu.memory_space<hbm>>
      %dma_start3A_325 = arith.constant 0 : i32
      %dma_start3A_326 = tpu.memref_slice %arg3[%mul3A_2, %dma_start3A_325] : memref<256x128xi32, #tpu.memory_space<hbm>> -> memref<16x128xi32, #tpu.memory_space<hbm>>
      tpu.enqueue_dma source(%dma_start3A_326 : memref<16x128xi32, #tpu.memory_space<hbm>>) target(%arg5 : memref<16x128xi32, #tpu.memory_space<vmem>>) target_semaphore(%run_scoped3A : memref<!tpu.dma_semaphore, #tpu.memory_space<semaphore_mem>>)
      %dma_wait3A_327 = arith.constant 0 : i32
      %dma_wait3A_328 = tpu.memref_slice %arg3[%mul3A_2, %dma_wait3A_327] : memref<256x128xi32, #tpu.memory_space<hbm>> -> memref<16x128xi32, #tpu.memory_space<hbm>>
      %dma_wait3A_329 = arith.constant 0 : i32
      %dma_wait3A_330 = tpu.memref_slice %arg3[%mul3A_2, %dma_wait3A_329] : memref<256x128xi32, #tpu.memory_space<hbm>> -> memref<16x128xi32, #tpu.memory_space<hbm>>
      tpu.wait_dma2 semaphore(%run_scoped3A : memref<!tpu.dma_semaphore, #tpu.memory_space<semaphore_mem>>) src(%dma_wait3A_330 : memref<16x128xi32, #tpu.memory_space<hbm>>) dst(%arg5 : memref<16x128xi32, #tpu.memory_space<vmem>>)
      tpu.yield
    }) : () -> ()
    %dma_start3A = arith.constant 0 : i32
    %dma_start3A_3 = arith.constant 0 : i32
    %dma_start3A_4 = arith.constant 0 : i32
    %dma_start3A_5 = tpu.memref_slice %arg6[%dma_start3A_3, %dma_start3A_4] : memref<2048x16xf32, #tpu.memory_space<vmem>> -> memref<128x16xf32, #tpu.memory_space<vmem>>
    %dma_start3A_6 = arith.constant 0 : i32
    %dma_start3A_7 = tpu.memref_slice %arg5[%dma_start3A, %dma_start3A_6] : memref<16x128xi32, #tpu.memory_space<vmem>> -> memref<1x128xi32, #tpu.memory_space<vmem>>
    %dma_start3A_8 = tpu.memref_squeeze %dma_start3A_7 : memref<1x128xi32, #tpu.memory_space<vmem>> -> memref<128xi32, #tpu.memory_space<vmem>>
    %dma_start3A_9 = arith.constant 0 : i32
    %dma_start3A_10 = arith.constant 0 : i32
    %dma_start3A_11 = tpu.memref_slice %arg2[%dma_start3A_9, %dma_start3A_10] : memref<32768x16xf32, #tpu.memory_space<hbm>> -> memref<32768x16xf32, #tpu.memory_space<hbm>>
    tpu.enqueue_indirect_dma source(%dma_start3A_11 : memref<32768x16xf32, #tpu.memory_space<hbm>>) target(%dma_start3A_5 : memref<128x16xf32, #tpu.memory_space<vmem>>) offsets(%dma_start3A_8 : memref<128xi32, #tpu.memory_space<vmem>>) semaphore(%arg7 : memref<!tpu.dma_semaphore, #tpu.memory_space<semaphore_mem>>)
    %dma_start3A_12 = arith.constant 1 : i32
    %dma_start3A_13 = arith.constant 128 : i32
    %dma_start3A_14 = arith.constant 0 : i32
    %dma_start3A_15 = tpu.memref_slice %arg6[%dma_start3A_13, %dma_start3A_14] : memref<2048x16xf32, #tpu.memory_space<vmem>> -> memref<128x16xf32, #tpu.memory_space<vmem>>
    %dma_start3A_16 = arith.constant 0 : i32
    %dma_start3A_17 = tpu.memref_slice %arg5[%dma_start3A_12, %dma_start3A_16] : memref<16x128xi32, #tpu.memory_space<vmem>> -> memref<1x128xi32, #tpu.memory_space<vmem>>
    %dma_start3A_18 = tpu.memref_squeeze %dma_start3A_17 : memref<1x128xi32, #tpu.memory_space<vmem>> -> memref<128xi32, #tpu.memory_space<vmem>>
    %dma_start3A_19 = arith.constant 0 : i32
    %dma_start3A_20 = arith.constant 0 : i32
    %dma_start3A_21 = tpu.memref_slice %arg2[%dma_start3A_19, %dma_start3A_20] : memref<32768x16xf32, #tpu.memory_space<hbm>> -> memref<32768x16xf32, #tpu.memory_space<hbm>>
    tpu.enqueue_indirect_dma source(%dma_start3A_21 : memref<32768x16xf32, #tpu.memory_space<hbm>>) target(%dma_start3A_15 : memref<128x16xf32, #tpu.memory_space<vmem>>) offsets(%dma_start3A_18 : memref<128xi32, #tpu.memory_space<vmem>>) semaphore(%arg7 : memref<!tpu.dma_semaphore, #tpu.memory_space<semaphore_mem>>)
    %dma_start3A_22 = arith.constant 2 : i32
    %dma_start3A_23 = arith.constant 256 : i32
    %dma_start3A_24 = arith.constant 0 : i32
    %dma_start3A_25 = tpu.memref_slice %arg6[%dma_start3A_23, %dma_start3A_24] : memref<2048x16xf32, #tpu.memory_space<vmem>> -> memref<128x16xf32, #tpu.memory_space<vmem>>
    %dma_start3A_26 = arith.constant 0 : i32
    %dma_start3A_27 = tpu.memref_slice %arg5[%dma_start3A_22, %dma_start3A_26] : memref<16x128xi32, #tpu.memory_space<vmem>> -> memref<1x128xi32, #tpu.memory_space<vmem>>
    %dma_start3A_28 = tpu.memref_squeeze %dma_start3A_27 : memref<1x128xi32, #tpu.memory_space<vmem>> -> memref<128xi32, #tpu.memory_space<vmem>>
    %dma_start3A_29 = arith.constant 0 : i32
    %dma_start3A_30 = arith.constant 0 : i32
    %dma_start3A_31 = tpu.memref_slice %arg2[%dma_start3A_29, %dma_start3A_30] : memref<32768x16xf32, #tpu.memory_space<hbm>> -> memref<32768x16xf32, #tpu.memory_space<hbm>>
    tpu.enqueue_indirect_dma source(%dma_start3A_31 : memref<32768x16xf32, #tpu.memory_space<hbm>>) target(%dma_start3A_25 : memref<128x16xf32, #tpu.memory_space<vmem>>) offsets(%dma_start3A_28 : memref<128xi32, #tpu.memory_space<vmem>>) semaphore(%arg7 : memref<!tpu.dma_semaphore, #tpu.memory_space<semaphore_mem>>)
    %dma_start3A_32 = arith.constant 3 : i32
    %dma_start3A_33 = arith.constant 384 : i32
    %dma_start3A_34 = arith.constant 0 : i32
    %dma_start3A_35 = tpu.memref_slice %arg6[%dma_start3A_33, %dma_start3A_34] : memref<2048x16xf32, #tpu.memory_space<vmem>> -> memref<128x16xf32, #tpu.memory_space<vmem>>
    %dma_start3A_36 = arith.constant 0 : i32
    %dma_start3A_37 = tpu.memref_slice %arg5[%dma_start3A_32, %dma_start3A_36] : memref<16x128xi32, #tpu.memory_space<vmem>> -> memref<1x128xi32, #tpu.memory_space<vmem>>
    %dma_start3A_38 = tpu.memref_squeeze %dma_start3A_37 : memref<1x128xi32, #tpu.memory_space<vmem>> -> memref<128xi32, #tpu.memory_space<vmem>>
    %dma_start3A_39 = arith.constant 0 : i32
    %dma_start3A_40 = arith.constant 0 : i32
    %dma_start3A_41 = tpu.memref_slice %arg2[%dma_start3A_39, %dma_start3A_40] : memref<32768x16xf32, #tpu.memory_space<hbm>> -> memref<32768x16xf32, #tpu.memory_space<hbm>>
    tpu.enqueue_indirect_dma source(%dma_start3A_41 : memref<32768x16xf32, #tpu.memory_space<hbm>>) target(%dma_start3A_35 : memref<128x16xf32, #tpu.memory_space<vmem>>) offsets(%dma_start3A_38 : memref<128xi32, #tpu.memory_space<vmem>>) semaphore(%arg7 : memref<!tpu.dma_semaphore, #tpu.memory_space<semaphore_mem>>)
    %dma_start3A_42 = arith.constant 4 : i32
    %dma_start3A_43 = arith.constant 512 : i32
    %dma_start3A_44 = arith.constant 0 : i32
    %dma_start3A_45 = tpu.memref_slice %arg6[%dma_start3A_43, %dma_start3A_44] : memref<2048x16xf32, #tpu.memory_space<vmem>> -> memref<128x16xf32, #tpu.memory_space<vmem>>
    %dma_start3A_46 = arith.constant 0 : i32
    %dma_start3A_47 = tpu.memref_slice %arg5[%dma_start3A_42, %dma_start3A_46] : memref<16x128xi32, #tpu.memory_space<vmem>> -> memref<1x128xi32, #tpu.memory_space<vmem>>
    %dma_start3A_48 = tpu.memref_squeeze %dma_start3A_47 : memref<1x128xi32, #tpu.memory_space<vmem>> -> memref<128xi32, #tpu.memory_space<vmem>>
    %dma_start3A_49 = arith.constant 0 : i32
    %dma_start3A_50 = arith.constant 0 : i32
    %dma_start3A_51 = tpu.memref_slice %arg2[%dma_start3A_49, %dma_start3A_50] : memref<32768x16xf32, #tpu.memory_space<hbm>> -> memref<32768x16xf32, #tpu.memory_space<hbm>>
    tpu.enqueue_indirect_dma source(%dma_start3A_51 : memref<32768x16xf32, #tpu.memory_space<hbm>>) target(%dma_start3A_45 : memref<128x16xf32, #tpu.memory_space<vmem>>) offsets(%dma_start3A_48 : memref<128xi32, #tpu.memory_space<vmem>>) semaphore(%arg7 : memref<!tpu.dma_semaphore, #tpu.memory_space<semaphore_mem>>)
    %dma_start3A_52 = arith.constant 5 : i32
    %dma_start3A_53 = arith.constant 640 : i32
    %dma_start3A_54 = arith.constant 0 : i32
    %dma_start3A_55 = tpu.memref_slice %arg6[%dma_start3A_53, %dma_start3A_54] : memref<2048x16xf32, #tpu.memory_space<vmem>> -> memref<128x16xf32, #tpu.memory_space<vmem>>
    %dma_start3A_56 = arith.constant 0 : i32
    %dma_start3A_57 = tpu.memref_slice %arg5[%dma_start3A_52, %dma_start3A_56] : memref<16x128xi32, #tpu.memory_space<vmem>> -> memref<1x128xi32, #tpu.memory_space<vmem>>
    %dma_start3A_58 = tpu.memref_squeeze %dma_start3A_57 : memref<1x128xi32, #tpu.memory_space<vmem>> -> memref<128xi32, #tpu.memory_space<vmem>>
    %dma_start3A_59 = arith.constant 0 : i32
    %dma_start3A_60 = arith.constant 0 : i32
    %dma_start3A_61 = tpu.memref_slice %arg2[%dma_start3A_59, %dma_start3A_60] : memref<32768x16xf32, #tpu.memory_space<hbm>> -> memref<32768x16xf32, #tpu.memory_space<hbm>>
    tpu.enqueue_indirect_dma source(%dma_start3A_61 : memref<32768x16xf32, #tpu.memory_space<hbm>>) target(%dma_start3A_55 : memref<128x16xf32, #tpu.memory_space<vmem>>) offsets(%dma_start3A_58 : memref<128xi32, #tpu.memory_space<vmem>>) semaphore(%arg7 : memref<!tpu.dma_semaphore, #tpu.memory_space<semaphore_mem>>)
    %dma_start3A_62 = arith.constant 6 : i32
    %dma_start3A_63 = arith.constant 768 : i32
    %dma_start3A_64 = arith.constant 0 : i32
    %dma_start3A_65 = tpu.memref_slice %arg6[%dma_start3A_63, %dma_start3A_64] : memref<2048x16xf32, #tpu.memory_space<vmem>> -> memref<128x16xf32, #tpu.memory_space<vmem>>
    %dma_start3A_66 = arith.constant 0 : i32
    %dma_start3A_67 = tpu.memref_slice %arg5[%dma_start3A_62, %dma_start3A_66] : memref<16x128xi32, #tpu.memory_space<vmem>> -> memref<1x128xi32, #tpu.memory_space<vmem>>
    %dma_start3A_68 = tpu.memref_squeeze %dma_start3A_67 : memref<1x128xi32, #tpu.memory_space<vmem>> -> memref<128xi32, #tpu.memory_space<vmem>>
    %dma_start3A_69 = arith.constant 0 : i32
    %dma_start3A_70 = arith.constant 0 : i32
    %dma_start3A_71 = tpu.memref_slice %arg2[%dma_start3A_69, %dma_start3A_70] : memref<32768x16xf32, #tpu.memory_space<hbm>> -> memref<32768x16xf32, #tpu.memory_space<hbm>>
    tpu.enqueue_indirect_dma source(%dma_start3A_71 : memref<32768x16xf32, #tpu.memory_space<hbm>>) target(%dma_start3A_65 : memref<128x16xf32, #tpu.memory_space<vmem>>) offsets(%dma_start3A_68 : memref<128xi32, #tpu.memory_space<vmem>>) semaphore(%arg7 : memref<!tpu.dma_semaphore, #tpu.memory_space<semaphore_mem>>)
    %dma_start3A_72 = arith.constant 7 : i32
    %dma_start3A_73 = arith.constant 896 : i32
    %dma_start3A_74 = arith.constant 0 : i32
    %dma_start3A_75 = tpu.memref_slice %arg6[%dma_start3A_73, %dma_start3A_74] : memref<2048x16xf32, #tpu.memory_space<vmem>> -> memref<128x16xf32, #tpu.memory_space<vmem>>
    %dma_start3A_76 = arith.constant 0 : i32
    %dma_start3A_77 = tpu.memref_slice %arg5[%dma_start3A_72, %dma_start3A_76] : memref<16x128xi32, #tpu.memory_space<vmem>> -> memref<1x128xi32, #tpu.memory_space<vmem>>
    %dma_start3A_78 = tpu.memref_squeeze %dma_start3A_77 : memref<1x128xi32, #tpu.memory_space<vmem>> -> memref<128xi32, #tpu.memory_space<vmem>>
    %dma_start3A_79 = arith.constant 0 : i32
    %dma_start3A_80 = arith.constant 0 : i32
    %dma_start3A_81 = tpu.memref_slice %arg2[%dma_start3A_79, %dma_start3A_80] : memref<32768x16xf32, #tpu.memory_space<hbm>> -> memref<32768x16xf32, #tpu.memory_space<hbm>>
    tpu.enqueue_indirect_dma source(%dma_start3A_81 : memref<32768x16xf32, #tpu.memory_space<hbm>>) target(%dma_start3A_75 : memref<128x16xf32, #tpu.memory_space<vmem>>) offsets(%dma_start3A_78 : memref<128xi32, #tpu.memory_space<vmem>>) semaphore(%arg7 : memref<!tpu.dma_semaphore, #tpu.memory_space<semaphore_mem>>)
    %dma_start3A_82 = arith.constant 8 : i32
    %dma_start3A_83 = arith.constant 1024 : i32
    %dma_start3A_84 = arith.constant 0 : i32
    %dma_start3A_85 = tpu.memref_slice %arg6[%dma_start3A_83, %dma_start3A_84] : memref<2048x16xf32, #tpu.memory_space<vmem>> -> memref<128x16xf32, #tpu.memory_space<vmem>>
    %dma_start3A_86 = arith.constant 0 : i32
    %dma_start3A_87 = tpu.memref_slice %arg5[%dma_start3A_82, %dma_start3A_86] : memref<16x128xi32, #tpu.memory_space<vmem>> -> memref<1x128xi32, #tpu.memory_space<vmem>>
    %dma_start3A_88 = tpu.memref_squeeze %dma_start3A_87 : memref<1x128xi32, #tpu.memory_space<vmem>> -> memref<128xi32, #tpu.memory_space<vmem>>
    %dma_start3A_89 = arith.constant 0 : i32
    %dma_start3A_90 = arith.constant 0 : i32
    %dma_start3A_91 = tpu.memref_slice %arg2[%dma_start3A_89, %dma_start3A_90] : memref<32768x16xf32, #tpu.memory_space<hbm>> -> memref<32768x16xf32, #tpu.memory_space<hbm>>
    tpu.enqueue_indirect_dma source(%dma_start3A_91 : memref<32768x16xf32, #tpu.memory_space<hbm>>) target(%dma_start3A_85 : memref<128x16xf32, #tpu.memory_space<vmem>>) offsets(%dma_start3A_88 : memref<128xi32, #tpu.memory_space<vmem>>) semaphore(%arg7 : memref<!tpu.dma_semaphore, #tpu.memory_space<semaphore_mem>>)
    %dma_start3A_92 = arith.constant 9 : i32
    %dma_start3A_93 = arith.constant 1152 : i32
    %dma_start3A_94 = arith.constant 0 : i32
    %dma_start3A_95 = tpu.memref_slice %arg6[%dma_start3A_93, %dma_start3A_94] : memref<2048x16xf32, #tpu.memory_space<vmem>> -> memref<128x16xf32, #tpu.memory_space<vmem>>
    %dma_start3A_96 = arith.constant 0 : i32
    %dma_start3A_97 = tpu.memref_slice %arg5[%dma_start3A_92, %dma_start3A_96] : memref<16x128xi32, #tpu.memory_space<vmem>> -> memref<1x128xi32, #tpu.memory_space<vmem>>
    %dma_start3A_98 = tpu.memref_squeeze %dma_start3A_97 : memref<1x128xi32, #tpu.memory_space<vmem>> -> memref<128xi32, #tpu.memory_space<vmem>>
    %dma_start3A_99 = arith.constant 0 : i32
    %dma_start3A_100 = arith.constant 0 : i32
    %dma_start3A_101 = tpu.memref_slice %arg2[%dma_start3A_99, %dma_start3A_100] : memref<32768x16xf32, #tpu.memory_space<hbm>> -> memref<32768x16xf32, #tpu.memory_space<hbm>>
    tpu.enqueue_indirect_dma source(%dma_start3A_101 : memref<32768x16xf32, #tpu.memory_space<hbm>>) target(%dma_start3A_95 : memref<128x16xf32, #tpu.memory_space<vmem>>) offsets(%dma_start3A_98 : memref<128xi32, #tpu.memory_space<vmem>>) semaphore(%arg7 : memref<!tpu.dma_semaphore, #tpu.memory_space<semaphore_mem>>)
    %dma_start3A_102 = arith.constant 10 : i32
    %dma_start3A_103 = arith.constant 1280 : i32
    %dma_start3A_104 = arith.constant 0 : i32
    %dma_start3A_105 = tpu.memref_slice %arg6[%dma_start3A_103, %dma_start3A_104] : memref<2048x16xf32, #tpu.memory_space<vmem>> -> memref<128x16xf32, #tpu.memory_space<vmem>>
    %dma_start3A_106 = arith.constant 0 : i32
    %dma_start3A_107 = tpu.memref_slice %arg5[%dma_start3A_102, %dma_start3A_106] : memref<16x128xi32, #tpu.memory_space<vmem>> -> memref<1x128xi32, #tpu.memory_space<vmem>>
    %dma_start3A_108 = tpu.memref_squeeze %dma_start3A_107 : memref<1x128xi32, #tpu.memory_space<vmem>> -> memref<128xi32, #tpu.memory_space<vmem>>
    %dma_start3A_109 = arith.constant 0 : i32
    %dma_start3A_110 = arith.constant 0 : i32
    %dma_start3A_111 = tpu.memref_slice %arg2[%dma_start3A_109, %dma_start3A_110] : memref<32768x16xf32, #tpu.memory_space<hbm>> -> memref<32768x16xf32, #tpu.memory_space<hbm>>
    tpu.enqueue_indirect_dma source(%dma_start3A_111 : memref<32768x16xf32, #tpu.memory_space<hbm>>) target(%dma_start3A_105 : memref<128x16xf32, #tpu.memory_space<vmem>>) offsets(%dma_start3A_108 : memref<128xi32, #tpu.memory_space<vmem>>) semaphore(%arg7 : memref<!tpu.dma_semaphore, #tpu.memory_space<semaphore_mem>>)
    %dma_start3A_112 = arith.constant 11 : i32
    %dma_start3A_113 = arith.constant 1408 : i32
    %dma_start3A_114 = arith.constant 0 : i32
    %dma_start3A_115 = tpu.memref_slice %arg6[%dma_start3A_113, %dma_start3A_114] : memref<2048x16xf32, #tpu.memory_space<vmem>> -> memref<128x16xf32, #tpu.memory_space<vmem>>
    %dma_start3A_116 = arith.constant 0 : i32
    %dma_start3A_117 = tpu.memref_slice %arg5[%dma_start3A_112, %dma_start3A_116] : memref<16x128xi32, #tpu.memory_space<vmem>> -> memref<1x128xi32, #tpu.memory_space<vmem>>
    %dma_start3A_118 = tpu.memref_squeeze %dma_start3A_117 : memref<1x128xi32, #tpu.memory_space<vmem>> -> memref<128xi32, #tpu.memory_space<vmem>>
    %dma_start3A_119 = arith.constant 0 : i32
    %dma_start3A_120 = arith.constant 0 : i32
    %dma_start3A_121 = tpu.memref_slice %arg2[%dma_start3A_119, %dma_start3A_120] : memref<32768x16xf32, #tpu.memory_space<hbm>> -> memref<32768x16xf32, #tpu.memory_space<hbm>>
    tpu.enqueue_indirect_dma source(%dma_start3A_121 : memref<32768x16xf32, #tpu.memory_space<hbm>>) target(%dma_start3A_115 : memref<128x16xf32, #tpu.memory_space<vmem>>) offsets(%dma_start3A_118 : memref<128xi32, #tpu.memory_space<vmem>>) semaphore(%arg7 : memref<!tpu.dma_semaphore, #tpu.memory_space<semaphore_mem>>)
    %dma_start3A_122 = arith.constant 12 : i32
    %dma_start3A_123 = arith.constant 1536 : i32
    %dma_start3A_124 = arith.constant 0 : i32
    %dma_start3A_125 = tpu.memref_slice %arg6[%dma_start3A_123, %dma_start3A_124] : memref<2048x16xf32, #tpu.memory_space<vmem>> -> memref<128x16xf32, #tpu.memory_space<vmem>>
    %dma_start3A_126 = arith.constant 0 : i32
    %dma_start3A_127 = tpu.memref_slice %arg5[%dma_start3A_122, %dma_start3A_126] : memref<16x128xi32, #tpu.memory_space<vmem>> -> memref<1x128xi32, #tpu.memory_space<vmem>>
    %dma_start3A_128 = tpu.memref_squeeze %dma_start3A_127 : memref<1x128xi32, #tpu.memory_space<vmem>> -> memref<128xi32, #tpu.memory_space<vmem>>
    %dma_start3A_129 = arith.constant 0 : i32
    %dma_start3A_130 = arith.constant 0 : i32
    %dma_start3A_131 = tpu.memref_slice %arg2[%dma_start3A_129, %dma_start3A_130] : memref<32768x16xf32, #tpu.memory_space<hbm>> -> memref<32768x16xf32, #tpu.memory_space<hbm>>
    tpu.enqueue_indirect_dma source(%dma_start3A_131 : memref<32768x16xf32, #tpu.memory_space<hbm>>) target(%dma_start3A_125 : memref<128x16xf32, #tpu.memory_space<vmem>>) offsets(%dma_start3A_128 : memref<128xi32, #tpu.memory_space<vmem>>) semaphore(%arg7 : memref<!tpu.dma_semaphore, #tpu.memory_space<semaphore_mem>>)
    %dma_start3A_132 = arith.constant 13 : i32
    %dma_start3A_133 = arith.constant 1664 : i32
    %dma_start3A_134 = arith.constant 0 : i32
    %dma_start3A_135 = tpu.memref_slice %arg6[%dma_start3A_133, %dma_start3A_134] : memref<2048x16xf32, #tpu.memory_space<vmem>> -> memref<128x16xf32, #tpu.memory_space<vmem>>
    %dma_start3A_136 = arith.constant 0 : i32
    %dma_start3A_137 = tpu.memref_slice %arg5[%dma_start3A_132, %dma_start3A_136] : memref<16x128xi32, #tpu.memory_space<vmem>> -> memref<1x128xi32, #tpu.memory_space<vmem>>
    %dma_start3A_138 = tpu.memref_squeeze %dma_start3A_137 : memref<1x128xi32, #tpu.memory_space<vmem>> -> memref<128xi32, #tpu.memory_space<vmem>>
    %dma_start3A_139 = arith.constant 0 : i32
    %dma_start3A_140 = arith.constant 0 : i32
    %dma_start3A_141 = tpu.memref_slice %arg2[%dma_start3A_139, %dma_start3A_140] : memref<32768x16xf32, #tpu.memory_space<hbm>> -> memref<32768x16xf32, #tpu.memory_space<hbm>>
    tpu.enqueue_indirect_dma source(%dma_start3A_141 : memref<32768x16xf32, #tpu.memory_space<hbm>>) target(%dma_start3A_135 : memref<128x16xf32, #tpu.memory_space<vmem>>) offsets(%dma_start3A_138 : memref<128xi32, #tpu.memory_space<vmem>>) semaphore(%arg7 : memref<!tpu.dma_semaphore, #tpu.memory_space<semaphore_mem>>)
    %dma_start3A_142 = arith.constant 14 : i32
    %dma_start3A_143 = arith.constant 1792 : i32
    %dma_start3A_144 = arith.constant 0 : i32
    %dma_start3A_145 = tpu.memref_slice %arg6[%dma_start3A_143, %dma_start3A_144] : memref<2048x16xf32, #tpu.memory_space<vmem>> -> memref<128x16xf32, #tpu.memory_space<vmem>>
    %dma_start3A_146 = arith.constant 0 : i32
    %dma_start3A_147 = tpu.memref_slice %arg5[%dma_start3A_142, %dma_start3A_146] : memref<16x128xi32, #tpu.memory_space<vmem>> -> memref<1x128xi32, #tpu.memory_space<vmem>>
    %dma_start3A_148 = tpu.memref_squeeze %dma_start3A_147 : memref<1x128xi32, #tpu.memory_space<vmem>> -> memref<128xi32, #tpu.memory_space<vmem>>
    %dma_start3A_149 = arith.constant 0 : i32
    %dma_start3A_150 = arith.constant 0 : i32
    %dma_start3A_151 = tpu.memref_slice %arg2[%dma_start3A_149, %dma_start3A_150] : memref<32768x16xf32, #tpu.memory_space<hbm>> -> memref<32768x16xf32, #tpu.memory_space<hbm>>
    tpu.enqueue_indirect_dma source(%dma_start3A_151 : memref<32768x16xf32, #tpu.memory_space<hbm>>) target(%dma_start3A_145 : memref<128x16xf32, #tpu.memory_space<vmem>>) offsets(%dma_start3A_148 : memref<128xi32, #tpu.memory_space<vmem>>) semaphore(%arg7 : memref<!tpu.dma_semaphore, #tpu.memory_space<semaphore_mem>>)
    %dma_start3A_152 = arith.constant 15 : i32
    %dma_start3A_153 = arith.constant 1920 : i32
    %dma_start3A_154 = arith.constant 0 : i32
    %dma_start3A_155 = tpu.memref_slice %arg6[%dma_start3A_153, %dma_start3A_154] : memref<2048x16xf32, #tpu.memory_space<vmem>> -> memref<128x16xf32, #tpu.memory_space<vmem>>
    %dma_start3A_156 = arith.constant 0 : i32
    %dma_start3A_157 = tpu.memref_slice %arg5[%dma_start3A_152, %dma_start3A_156] : memref<16x128xi32, #tpu.memory_space<vmem>> -> memref<1x128xi32, #tpu.memory_space<vmem>>
    %dma_start3A_158 = tpu.memref_squeeze %dma_start3A_157 : memref<1x128xi32, #tpu.memory_space<vmem>> -> memref<128xi32, #tpu.memory_space<vmem>>
    %dma_start3A_159 = arith.constant 0 : i32
    %dma_start3A_160 = arith.constant 0 : i32
    %dma_start3A_161 = tpu.memref_slice %arg2[%dma_start3A_159, %dma_start3A_160] : memref<32768x16xf32, #tpu.memory_space<hbm>> -> memref<32768x16xf32, #tpu.memory_space<hbm>>
    tpu.enqueue_indirect_dma source(%dma_start3A_161 : memref<32768x16xf32, #tpu.memory_space<hbm>>) target(%dma_start3A_155 : memref<128x16xf32, #tpu.memory_space<vmem>>) offsets(%dma_start3A_158 : memref<128xi32, #tpu.memory_space<vmem>>) semaphore(%arg7 : memref<!tpu.dma_semaphore, #tpu.memory_space<semaphore_mem>>)
    %dma_wait3A = arith.constant 0 : i32
    %dma_wait3A_162 = arith.constant 0 : i32
    %dma_wait3A_163 = arith.constant 0 : i32
    %dma_wait3A_164 = tpu.memref_slice %arg6[%dma_wait3A_162, %dma_wait3A_163] : memref<2048x16xf32, #tpu.memory_space<vmem>> -> memref<128x16xf32, #tpu.memory_space<vmem>>
    %dma_wait3A_165 = arith.constant 0 : i32
    %dma_wait3A_166 = tpu.memref_slice %arg5[%dma_wait3A, %dma_wait3A_165] : memref<16x128xi32, #tpu.memory_space<vmem>> -> memref<1x128xi32, #tpu.memory_space<vmem>>
    %dma_wait3A_167 = tpu.memref_squeeze %dma_wait3A_166 : memref<1x128xi32, #tpu.memory_space<vmem>> -> memref<128xi32, #tpu.memory_space<vmem>>
    %dma_wait3A_168 = arith.constant 0 : i32
    %dma_wait3A_169 = arith.constant 0 : i32
    %dma_wait3A_170 = tpu.memref_slice %arg2[%dma_wait3A_168, %dma_wait3A_169] : memref<32768x16xf32, #tpu.memory_space<hbm>> -> memref<32768x16xf32, #tpu.memory_space<hbm>>
    tpu.wait_indirect_dma semaphore(%arg7 : memref<!tpu.dma_semaphore, #tpu.memory_space<semaphore_mem>>) src(%dma_wait3A_170 : memref<32768x16xf32, #tpu.memory_space<hbm>>) dst(%dma_wait3A_164 : memref<128x16xf32, #tpu.memory_space<vmem>>)
    %dma_wait3A_171 = arith.constant 1 : i32
    %dma_wait3A_172 = arith.constant 128 : i32
    %dma_wait3A_173 = arith.constant 0 : i32
    %dma_wait3A_174 = tpu.memref_slice %arg6[%dma_wait3A_172, %dma_wait3A_173] : memref<2048x16xf32, #tpu.memory_space<vmem>> -> memref<128x16xf32, #tpu.memory_space<vmem>>
    %dma_wait3A_175 = arith.constant 0 : i32
    %dma_wait3A_176 = tpu.memref_slice %arg5[%dma_wait3A_171, %dma_wait3A_175] : memref<16x128xi32, #tpu.memory_space<vmem>> -> memref<1x128xi32, #tpu.memory_space<vmem>>
    %dma_wait3A_177 = tpu.memref_squeeze %dma_wait3A_176 : memref<1x128xi32, #tpu.memory_space<vmem>> -> memref<128xi32, #tpu.memory_space<vmem>>
    %dma_wait3A_178 = arith.constant 0 : i32
    %dma_wait3A_179 = arith.constant 0 : i32
    %dma_wait3A_180 = tpu.memref_slice %arg2[%dma_wait3A_178, %dma_wait3A_179] : memref<32768x16xf32, #tpu.memory_space<hbm>> -> memref<32768x16xf32, #tpu.memory_space<hbm>>
    tpu.wait_indirect_dma semaphore(%arg7 : memref<!tpu.dma_semaphore, #tpu.memory_space<semaphore_mem>>) src(%dma_wait3A_180 : memref<32768x16xf32, #tpu.memory_space<hbm>>) dst(%dma_wait3A_174 : memref<128x16xf32, #tpu.memory_space<vmem>>)
    %dma_wait3A_181 = arith.constant 2 : i32
    %dma_wait3A_182 = arith.constant 256 : i32
    %dma_wait3A_183 = arith.constant 0 : i32
    %dma_wait3A_184 = tpu.memref_slice %arg6[%dma_wait3A_182, %dma_wait3A_183] : memref<2048x16xf32, #tpu.memory_space<vmem>> -> memref<128x16xf32, #tpu.memory_space<vmem>>
    %dma_wait3A_185 = arith.constant 0 : i32
    %dma_wait3A_186 = tpu.memref_slice %arg5[%dma_wait3A_181, %dma_wait3A_185] : memref<16x128xi32, #tpu.memory_space<vmem>> -> memref<1x128xi32, #tpu.memory_space<vmem>>
    %dma_wait3A_187 = tpu.memref_squeeze %dma_wait3A_186 : memref<1x128xi32, #tpu.memory_space<vmem>> -> memref<128xi32, #tpu.memory_space<vmem>>
    %dma_wait3A_188 = arith.constant 0 : i32
    %dma_wait3A_189 = arith.constant 0 : i32
    %dma_wait3A_190 = tpu.memref_slice %arg2[%dma_wait3A_188, %dma_wait3A_189] : memref<32768x16xf32, #tpu.memory_space<hbm>> -> memref<32768x16xf32, #tpu.memory_space<hbm>>
    tpu.wait_indirect_dma semaphore(%arg7 : memref<!tpu.dma_semaphore, #tpu.memory_space<semaphore_mem>>) src(%dma_wait3A_190 : memref<32768x16xf32, #tpu.memory_space<hbm>>) dst(%dma_wait3A_184 : memref<128x16xf32, #tpu.memory_space<vmem>>)
    %dma_wait3A_191 = arith.constant 3 : i32
    %dma_wait3A_192 = arith.constant 384 : i32
    %dma_wait3A_193 = arith.constant 0 : i32
    %dma_wait3A_194 = tpu.memref_slice %arg6[%dma_wait3A_192, %dma_wait3A_193] : memref<2048x16xf32, #tpu.memory_space<vmem>> -> memref<128x16xf32, #tpu.memory_space<vmem>>
    %dma_wait3A_195 = arith.constant 0 : i32
    %dma_wait3A_196 = tpu.memref_slice %arg5[%dma_wait3A_191, %dma_wait3A_195] : memref<16x128xi32, #tpu.memory_space<vmem>> -> memref<1x128xi32, #tpu.memory_space<vmem>>
    %dma_wait3A_197 = tpu.memref_squeeze %dma_wait3A_196 : memref<1x128xi32, #tpu.memory_space<vmem>> -> memref<128xi32, #tpu.memory_space<vmem>>
    %dma_wait3A_198 = arith.constant 0 : i32
    %dma_wait3A_199 = arith.constant 0 : i32
    %dma_wait3A_200 = tpu.memref_slice %arg2[%dma_wait3A_198, %dma_wait3A_199] : memref<32768x16xf32, #tpu.memory_space<hbm>> -> memref<32768x16xf32, #tpu.memory_space<hbm>>
    tpu.wait_indirect_dma semaphore(%arg7 : memref<!tpu.dma_semaphore, #tpu.memory_space<semaphore_mem>>) src(%dma_wait3A_200 : memref<32768x16xf32, #tpu.memory_space<hbm>>) dst(%dma_wait3A_194 : memref<128x16xf32, #tpu.memory_space<vmem>>)
    %dma_wait3A_201 = arith.constant 4 : i32
    %dma_wait3A_202 = arith.constant 512 : i32
    %dma_wait3A_203 = arith.constant 0 : i32
    %dma_wait3A_204 = tpu.memref_slice %arg6[%dma_wait3A_202, %dma_wait3A_203] : memref<2048x16xf32, #tpu.memory_space<vmem>> -> memref<128x16xf32, #tpu.memory_space<vmem>>
    %dma_wait3A_205 = arith.constant 0 : i32
    %dma_wait3A_206 = tpu.memref_slice %arg5[%dma_wait3A_201, %dma_wait3A_205] : memref<16x128xi32, #tpu.memory_space<vmem>> -> memref<1x128xi32, #tpu.memory_space<vmem>>
    %dma_wait3A_207 = tpu.memref_squeeze %dma_wait3A_206 : memref<1x128xi32, #tpu.memory_space<vmem>> -> memref<128xi32, #tpu.memory_space<vmem>>
    %dma_wait3A_208 = arith.constant 0 : i32
    %dma_wait3A_209 = arith.constant 0 : i32
    %dma_wait3A_210 = tpu.memref_slice %arg2[%dma_wait3A_208, %dma_wait3A_209] : memref<32768x16xf32, #tpu.memory_space<hbm>> -> memref<32768x16xf32, #tpu.memory_space<hbm>>
    tpu.wait_indirect_dma semaphore(%arg7 : memref<!tpu.dma_semaphore, #tpu.memory_space<semaphore_mem>>) src(%dma_wait3A_210 : memref<32768x16xf32, #tpu.memory_space<hbm>>) dst(%dma_wait3A_204 : memref<128x16xf32, #tpu.memory_space<vmem>>)
    %dma_wait3A_211 = arith.constant 5 : i32
    %dma_wait3A_212 = arith.constant 640 : i32
    %dma_wait3A_213 = arith.constant 0 : i32
    %dma_wait3A_214 = tpu.memref_slice %arg6[%dma_wait3A_212, %dma_wait3A_213] : memref<2048x16xf32, #tpu.memory_space<vmem>> -> memref<128x16xf32, #tpu.memory_space<vmem>>
    %dma_wait3A_215 = arith.constant 0 : i32
    %dma_wait3A_216 = tpu.memref_slice %arg5[%dma_wait3A_211, %dma_wait3A_215] : memref<16x128xi32, #tpu.memory_space<vmem>> -> memref<1x128xi32, #tpu.memory_space<vmem>>
    %dma_wait3A_217 = tpu.memref_squeeze %dma_wait3A_216 : memref<1x128xi32, #tpu.memory_space<vmem>> -> memref<128xi32, #tpu.memory_space<vmem>>
    %dma_wait3A_218 = arith.constant 0 : i32
    %dma_wait3A_219 = arith.constant 0 : i32
    %dma_wait3A_220 = tpu.memref_slice %arg2[%dma_wait3A_218, %dma_wait3A_219] : memref<32768x16xf32, #tpu.memory_space<hbm>> -> memref<32768x16xf32, #tpu.memory_space<hbm>>
    tpu.wait_indirect_dma semaphore(%arg7 : memref<!tpu.dma_semaphore, #tpu.memory_space<semaphore_mem>>) src(%dma_wait3A_220 : memref<32768x16xf32, #tpu.memory_space<hbm>>) dst(%dma_wait3A_214 : memref<128x16xf32, #tpu.memory_space<vmem>>)
    %dma_wait3A_221 = arith.constant 6 : i32
    %dma_wait3A_222 = arith.constant 768 : i32
    %dma_wait3A_223 = arith.constant 0 : i32
    %dma_wait3A_224 = tpu.memref_slice %arg6[%dma_wait3A_222, %dma_wait3A_223] : memref<2048x16xf32, #tpu.memory_space<vmem>> -> memref<128x16xf32, #tpu.memory_space<vmem>>
    %dma_wait3A_225 = arith.constant 0 : i32
    %dma_wait3A_226 = tpu.memref_slice %arg5[%dma_wait3A_221, %dma_wait3A_225] : memref<16x128xi32, #tpu.memory_space<vmem>> -> memref<1x128xi32, #tpu.memory_space<vmem>>
    %dma_wait3A_227 = tpu.memref_squeeze %dma_wait3A_226 : memref<1x128xi32, #tpu.memory_space<vmem>> -> memref<128xi32, #tpu.memory_space<vmem>>
    %dma_wait3A_228 = arith.constant 0 : i32
    %dma_wait3A_229 = arith.constant 0 : i32
    %dma_wait3A_230 = tpu.memref_slice %arg2[%dma_wait3A_228, %dma_wait3A_229] : memref<32768x16xf32, #tpu.memory_space<hbm>> -> memref<32768x16xf32, #tpu.memory_space<hbm>>
    tpu.wait_indirect_dma semaphore(%arg7 : memref<!tpu.dma_semaphore, #tpu.memory_space<semaphore_mem>>) src(%dma_wait3A_230 : memref<32768x16xf32, #tpu.memory_space<hbm>>) dst(%dma_wait3A_224 : memref<128x16xf32, #tpu.memory_space<vmem>>)
    %dma_wait3A_231 = arith.constant 7 : i32
    %dma_wait3A_232 = arith.constant 896 : i32
    %dma_wait3A_233 = arith.constant 0 : i32
    %dma_wait3A_234 = tpu.memref_slice %arg6[%dma_wait3A_232, %dma_wait3A_233] : memref<2048x16xf32, #tpu.memory_space<vmem>> -> memref<128x16xf32, #tpu.memory_space<vmem>>
    %dma_wait3A_235 = arith.constant 0 : i32
    %dma_wait3A_236 = tpu.memref_slice %arg5[%dma_wait3A_231, %dma_wait3A_235] : memref<16x128xi32, #tpu.memory_space<vmem>> -> memref<1x128xi32, #tpu.memory_space<vmem>>
    %dma_wait3A_237 = tpu.memref_squeeze %dma_wait3A_236 : memref<1x128xi32, #tpu.memory_space<vmem>> -> memref<128xi32, #tpu.memory_space<vmem>>
    %dma_wait3A_238 = arith.constant 0 : i32
    %dma_wait3A_239 = arith.constant 0 : i32
    %dma_wait3A_240 = tpu.memref_slice %arg2[%dma_wait3A_238, %dma_wait3A_239] : memref<32768x16xf32, #tpu.memory_space<hbm>> -> memref<32768x16xf32, #tpu.memory_space<hbm>>
    tpu.wait_indirect_dma semaphore(%arg7 : memref<!tpu.dma_semaphore, #tpu.memory_space<semaphore_mem>>) src(%dma_wait3A_240 : memref<32768x16xf32, #tpu.memory_space<hbm>>) dst(%dma_wait3A_234 : memref<128x16xf32, #tpu.memory_space<vmem>>)
    %dma_wait3A_241 = arith.constant 8 : i32
    %dma_wait3A_242 = arith.constant 1024 : i32
    %dma_wait3A_243 = arith.constant 0 : i32
    %dma_wait3A_244 = tpu.memref_slice %arg6[%dma_wait3A_242, %dma_wait3A_243] : memref<2048x16xf32, #tpu.memory_space<vmem>> -> memref<128x16xf32, #tpu.memory_space<vmem>>
    %dma_wait3A_245 = arith.constant 0 : i32
    %dma_wait3A_246 = tpu.memref_slice %arg5[%dma_wait3A_241, %dma_wait3A_245] : memref<16x128xi32, #tpu.memory_space<vmem>> -> memref<1x128xi32, #tpu.memory_space<vmem>>
    %dma_wait3A_247 = tpu.memref_squeeze %dma_wait3A_246 : memref<1x128xi32, #tpu.memory_space<vmem>> -> memref<128xi32, #tpu.memory_space<vmem>>
    %dma_wait3A_248 = arith.constant 0 : i32
    %dma_wait3A_249 = arith.constant 0 : i32
    %dma_wait3A_250 = tpu.memref_slice %arg2[%dma_wait3A_248, %dma_wait3A_249] : memref<32768x16xf32, #tpu.memory_space<hbm>> -> memref<32768x16xf32, #tpu.memory_space<hbm>>
    tpu.wait_indirect_dma semaphore(%arg7 : memref<!tpu.dma_semaphore, #tpu.memory_space<semaphore_mem>>) src(%dma_wait3A_250 : memref<32768x16xf32, #tpu.memory_space<hbm>>) dst(%dma_wait3A_244 : memref<128x16xf32, #tpu.memory_space<vmem>>)
    %dma_wait3A_251 = arith.constant 9 : i32
    %dma_wait3A_252 = arith.constant 1152 : i32
    %dma_wait3A_253 = arith.constant 0 : i32
    %dma_wait3A_254 = tpu.memref_slice %arg6[%dma_wait3A_252, %dma_wait3A_253] : memref<2048x16xf32, #tpu.memory_space<vmem>> -> memref<128x16xf32, #tpu.memory_space<vmem>>
    %dma_wait3A_255 = arith.constant 0 : i32
    %dma_wait3A_256 = tpu.memref_slice %arg5[%dma_wait3A_251, %dma_wait3A_255] : memref<16x128xi32, #tpu.memory_space<vmem>> -> memref<1x128xi32, #tpu.memory_space<vmem>>
    %dma_wait3A_257 = tpu.memref_squeeze %dma_wait3A_256 : memref<1x128xi32, #tpu.memory_space<vmem>> -> memref<128xi32, #tpu.memory_space<vmem>>
    %dma_wait3A_258 = arith.constant 0 : i32
    %dma_wait3A_259 = arith.constant 0 : i32
    %dma_wait3A_260 = tpu.memref_slice %arg2[%dma_wait3A_258, %dma_wait3A_259] : memref<32768x16xf32, #tpu.memory_space<hbm>> -> memref<32768x16xf32, #tpu.memory_space<hbm>>
    tpu.wait_indirect_dma semaphore(%arg7 : memref<!tpu.dma_semaphore, #tpu.memory_space<semaphore_mem>>) src(%dma_wait3A_260 : memref<32768x16xf32, #tpu.memory_space<hbm>>) dst(%dma_wait3A_254 : memref<128x16xf32, #tpu.memory_space<vmem>>)
    %dma_wait3A_261 = arith.constant 10 : i32
    %dma_wait3A_262 = arith.constant 1280 : i32
    %dma_wait3A_263 = arith.constant 0 : i32
    %dma_wait3A_264 = tpu.memref_slice %arg6[%dma_wait3A_262, %dma_wait3A_263] : memref<2048x16xf32, #tpu.memory_space<vmem>> -> memref<128x16xf32, #tpu.memory_space<vmem>>
    %dma_wait3A_265 = arith.constant 0 : i32
    %dma_wait3A_266 = tpu.memref_slice %arg5[%dma_wait3A_261, %dma_wait3A_265] : memref<16x128xi32, #tpu.memory_space<vmem>> -> memref<1x128xi32, #tpu.memory_space<vmem>>
    %dma_wait3A_267 = tpu.memref_squeeze %dma_wait3A_266 : memref<1x128xi32, #tpu.memory_space<vmem>> -> memref<128xi32, #tpu.memory_space<vmem>>
    %dma_wait3A_268 = arith.constant 0 : i32
    %dma_wait3A_269 = arith.constant 0 : i32
    %dma_wait3A_270 = tpu.memref_slice %arg2[%dma_wait3A_268, %dma_wait3A_269] : memref<32768x16xf32, #tpu.memory_space<hbm>> -> memref<32768x16xf32, #tpu.memory_space<hbm>>
    tpu.wait_indirect_dma semaphore(%arg7 : memref<!tpu.dma_semaphore, #tpu.memory_space<semaphore_mem>>) src(%dma_wait3A_270 : memref<32768x16xf32, #tpu.memory_space<hbm>>) dst(%dma_wait3A_264 : memref<128x16xf32, #tpu.memory_space<vmem>>)
    %dma_wait3A_271 = arith.constant 11 : i32
    %dma_wait3A_272 = arith.constant 1408 : i32
    %dma_wait3A_273 = arith.constant 0 : i32
    %dma_wait3A_274 = tpu.memref_slice %arg6[%dma_wait3A_272, %dma_wait3A_273] : memref<2048x16xf32, #tpu.memory_space<vmem>> -> memref<128x16xf32, #tpu.memory_space<vmem>>
    %dma_wait3A_275 = arith.constant 0 : i32
    %dma_wait3A_276 = tpu.memref_slice %arg5[%dma_wait3A_271, %dma_wait3A_275] : memref<16x128xi32, #tpu.memory_space<vmem>> -> memref<1x128xi32, #tpu.memory_space<vmem>>
    %dma_wait3A_277 = tpu.memref_squeeze %dma_wait3A_276 : memref<1x128xi32, #tpu.memory_space<vmem>> -> memref<128xi32, #tpu.memory_space<vmem>>
    %dma_wait3A_278 = arith.constant 0 : i32
    %dma_wait3A_279 = arith.constant 0 : i32
    %dma_wait3A_280 = tpu.memref_slice %arg2[%dma_wait3A_278, %dma_wait3A_279] : memref<32768x16xf32, #tpu.memory_space<hbm>> -> memref<32768x16xf32, #tpu.memory_space<hbm>>
    tpu.wait_indirect_dma semaphore(%arg7 : memref<!tpu.dma_semaphore, #tpu.memory_space<semaphore_mem>>) src(%dma_wait3A_280 : memref<32768x16xf32, #tpu.memory_space<hbm>>) dst(%dma_wait3A_274 : memref<128x16xf32, #tpu.memory_space<vmem>>)
    %dma_wait3A_281 = arith.constant 12 : i32
    %dma_wait3A_282 = arith.constant 1536 : i32
    %dma_wait3A_283 = arith.constant 0 : i32
    %dma_wait3A_284 = tpu.memref_slice %arg6[%dma_wait3A_282, %dma_wait3A_283] : memref<2048x16xf32, #tpu.memory_space<vmem>> -> memref<128x16xf32, #tpu.memory_space<vmem>>
    %dma_wait3A_285 = arith.constant 0 : i32
    %dma_wait3A_286 = tpu.memref_slice %arg5[%dma_wait3A_281, %dma_wait3A_285] : memref<16x128xi32, #tpu.memory_space<vmem>> -> memref<1x128xi32, #tpu.memory_space<vmem>>
    %dma_wait3A_287 = tpu.memref_squeeze %dma_wait3A_286 : memref<1x128xi32, #tpu.memory_space<vmem>> -> memref<128xi32, #tpu.memory_space<vmem>>
    %dma_wait3A_288 = arith.constant 0 : i32
    %dma_wait3A_289 = arith.constant 0 : i32
    %dma_wait3A_290 = tpu.memref_slice %arg2[%dma_wait3A_288, %dma_wait3A_289] : memref<32768x16xf32, #tpu.memory_space<hbm>> -> memref<32768x16xf32, #tpu.memory_space<hbm>>
    tpu.wait_indirect_dma semaphore(%arg7 : memref<!tpu.dma_semaphore, #tpu.memory_space<semaphore_mem>>) src(%dma_wait3A_290 : memref<32768x16xf32, #tpu.memory_space<hbm>>) dst(%dma_wait3A_284 : memref<128x16xf32, #tpu.memory_space<vmem>>)
    %dma_wait3A_291 = arith.constant 13 : i32
    %dma_wait3A_292 = arith.constant 1664 : i32
    %dma_wait3A_293 = arith.constant 0 : i32
    %dma_wait3A_294 = tpu.memref_slice %arg6[%dma_wait3A_292, %dma_wait3A_293] : memref<2048x16xf32, #tpu.memory_space<vmem>> -> memref<128x16xf32, #tpu.memory_space<vmem>>
    %dma_wait3A_295 = arith.constant 0 : i32
    %dma_wait3A_296 = tpu.memref_slice %arg5[%dma_wait3A_291, %dma_wait3A_295] : memref<16x128xi32, #tpu.memory_space<vmem>> -> memref<1x128xi32, #tpu.memory_space<vmem>>
    %dma_wait3A_297 = tpu.memref_squeeze %dma_wait3A_296 : memref<1x128xi32, #tpu.memory_space<vmem>> -> memref<128xi32, #tpu.memory_space<vmem>>
    %dma_wait3A_298 = arith.constant 0 : i32
    %dma_wait3A_299 = arith.constant 0 : i32
    %dma_wait3A_300 = tpu.memref_slice %arg2[%dma_wait3A_298, %dma_wait3A_299] : memref<32768x16xf32, #tpu.memory_space<hbm>> -> memref<32768x16xf32, #tpu.memory_space<hbm>>
    tpu.wait_indirect_dma semaphore(%arg7 : memref<!tpu.dma_semaphore, #tpu.memory_space<semaphore_mem>>) src(%dma_wait3A_300 : memref<32768x16xf32, #tpu.memory_space<hbm>>) dst(%dma_wait3A_294 : memref<128x16xf32, #tpu.memory_space<vmem>>)
    %dma_wait3A_301 = arith.constant 14 : i32
    %dma_wait3A_302 = arith.constant 1792 : i32
    %dma_wait3A_303 = arith.constant 0 : i32
    %dma_wait3A_304 = tpu.memref_slice %arg6[%dma_wait3A_302, %dma_wait3A_303] : memref<2048x16xf32, #tpu.memory_space<vmem>> -> memref<128x16xf32, #tpu.memory_space<vmem>>
    %dma_wait3A_305 = arith.constant 0 : i32
    %dma_wait3A_306 = tpu.memref_slice %arg5[%dma_wait3A_301, %dma_wait3A_305] : memref<16x128xi32, #tpu.memory_space<vmem>> -> memref<1x128xi32, #tpu.memory_space<vmem>>
    %dma_wait3A_307 = tpu.memref_squeeze %dma_wait3A_306 : memref<1x128xi32, #tpu.memory_space<vmem>> -> memref<128xi32, #tpu.memory_space<vmem>>
    %dma_wait3A_308 = arith.constant 0 : i32
    %dma_wait3A_309 = arith.constant 0 : i32
    %dma_wait3A_310 = tpu.memref_slice %arg2[%dma_wait3A_308, %dma_wait3A_309] : memref<32768x16xf32, #tpu.memory_space<hbm>> -> memref<32768x16xf32, #tpu.memory_space<hbm>>
    tpu.wait_indirect_dma semaphore(%arg7 : memref<!tpu.dma_semaphore, #tpu.memory_space<semaphore_mem>>) src(%dma_wait3A_310 : memref<32768x16xf32, #tpu.memory_space<hbm>>) dst(%dma_wait3A_304 : memref<128x16xf32, #tpu.memory_space<vmem>>)
    %dma_wait3A_311 = arith.constant 15 : i32
    %dma_wait3A_312 = arith.constant 1920 : i32
    %dma_wait3A_313 = arith.constant 0 : i32
    %dma_wait3A_314 = tpu.memref_slice %arg6[%dma_wait3A_312, %dma_wait3A_313] : memref<2048x16xf32, #tpu.memory_space<vmem>> -> memref<128x16xf32, #tpu.memory_space<vmem>>
    %dma_wait3A_315 = arith.constant 0 : i32
    %dma_wait3A_316 = tpu.memref_slice %arg5[%dma_wait3A_311, %dma_wait3A_315] : memref<16x128xi32, #tpu.memory_space<vmem>> -> memref<1x128xi32, #tpu.memory_space<vmem>>
    %dma_wait3A_317 = tpu.memref_squeeze %dma_wait3A_316 : memref<1x128xi32, #tpu.memory_space<vmem>> -> memref<128xi32, #tpu.memory_space<vmem>>
    %dma_wait3A_318 = arith.constant 0 : i32
    %dma_wait3A_319 = arith.constant 0 : i32
    %dma_wait3A_320 = tpu.memref_slice %arg2[%dma_wait3A_318, %dma_wait3A_319] : memref<32768x16xf32, #tpu.memory_space<hbm>> -> memref<32768x16xf32, #tpu.memory_space<hbm>>
    tpu.wait_indirect_dma semaphore(%arg7 : memref<!tpu.dma_semaphore, #tpu.memory_space<semaphore_mem>>) src(%dma_wait3A_320 : memref<32768x16xf32, #tpu.memory_space<hbm>>) dst(%dma_wait3A_314 : memref<128x16xf32, #tpu.memory_space<vmem>>)
    %mul3A_321 = arith.constant 2048 : i32
    %mul3A_322 = arith.muli %add3A, %mul3A_321 : i32
    "tpu.region"() ({
      %run_scoped3A = tpu.sem_alloc : memref<!tpu.dma_semaphore, #tpu.memory_space<semaphore_mem>>
      %dma_start3A_323 = arith.constant 0 : i32
      %dma_start3A_324 = tpu.memref_slice %arg4[%mul3A_322, %dma_start3A_323] : memref<32768x16xf32, #tpu.memory_space<hbm>> -> memref<2048x16xf32, #tpu.memory_space<hbm>>
      %dma_start3A_325 = arith.constant 0 : i32
      %dma_start3A_326 = tpu.memref_slice %arg4[%mul3A_322, %dma_start3A_325] : memref<32768x16xf32, #tpu.memory_space<hbm>> -> memref<2048x16xf32, #tpu.memory_space<hbm>>
      tpu.enqueue_dma source(%arg6 : memref<2048x16xf32, #tpu.memory_space<vmem>>) target(%dma_start3A_326 : memref<2048x16xf32, #tpu.memory_space<hbm>>) target_semaphore(%run_scoped3A : memref<!tpu.dma_semaphore, #tpu.memory_space<semaphore_mem>>)
      %dma_wait3A_327 = arith.constant 0 : i32
      %dma_wait3A_328 = tpu.memref_slice %arg4[%mul3A_322, %dma_wait3A_327] : memref<32768x16xf32, #tpu.memory_space<hbm>> -> memref<2048x16xf32, #tpu.memory_space<hbm>>
      %dma_wait3A_329 = arith.constant 0 : i32
      %dma_wait3A_330 = tpu.memref_slice %arg4[%mul3A_322, %dma_wait3A_329] : memref<32768x16xf32, #tpu.memory_space<hbm>> -> memref<2048x16xf32, #tpu.memory_space<hbm>>
      tpu.wait_dma2 semaphore(%run_scoped3A : memref<!tpu.dma_semaphore, #tpu.memory_space<semaphore_mem>>) src(%arg6 : memref<2048x16xf32, #tpu.memory_space<vmem>>) dst(%dma_wait3A_330 : memref<2048x16xf32, #tpu.memory_space<hbm>>)
      tpu.yield
    }) : () -> ()
    return
  }
}

module attributes {stable_mosaic.version = 14 : i64} {
  func.func @_fused_body(%arg0: i32, %arg1: i32, %arg2: memref<128x1024xf32, #tpu.memory_space<vmem>>, %arg3: memref<1024x1024xf32, #tpu.memory_space<vmem>>, %arg4: memref<1x1024xf32, #tpu.memory_space<vmem>>, %arg5: memref<1024x1024xf32, #tpu.memory_space<vmem>>, %arg6: memref<1x1024xf32, #tpu.memory_space<vmem>>, %arg7: memref<512x1024xf32, #tpu.memory_space<vmem>>, %arg8: memref<1x1024xf32, #tpu.memory_space<vmem>>, %arg9: memref<1024x1024xf32, #tpu.memory_space<vmem>>, %arg10: memref<1x1024xf32, #tpu.memory_space<vmem>>, %arg11: memref<1x128x512xf32, #tpu.memory_space<vmem>>, %arg12: memref<1024x128xf32, #tpu.memory_space<vmem>>, %arg13: memref<1x1x512xf32, #tpu.memory_space<vmem>>, %arg14: memref<128x512xf32, #tpu.memory_space<vmem>>, %arg15: memref<128x512xf32, #tpu.memory_space<vmem>>, %arg16: memref<128x8x512xf32, #tpu.memory_space<vmem>>, %arg17: memref<128x64xi32, #tpu.memory_space<vmem>>, %arg18: memref<8x128x128xf32, #tpu.memory_space<vmem>>) attributes {dimension_semantics = [#tpu.dimension_semantics<arbitrary>, #tpu.dimension_semantics<arbitrary>], iteration_bounds = array<i64: 4, 8>, scalar_prefetch = 0 : i64, scratch_operands = 1 : i64, tpu.core_type = #tpu.core_type<tc>, window_params = [{transform_indices = @transform_0, window_bounds = array<i64: 128, 1024>}, {pipeline_mode = #tpu.pipeline_mode<synchronous>, transform_indices = @transform_1, window_bounds = array<i64: 1024, 1024>}, {pipeline_mode = #tpu.pipeline_mode<synchronous>, transform_indices = @transform_2, window_bounds = array<i64: 1, 1024>}, {pipeline_mode = #tpu.pipeline_mode<synchronous>, transform_indices = @transform_3, window_bounds = array<i64: 1024, 1024>}, {pipeline_mode = #tpu.pipeline_mode<synchronous>, transform_indices = @transform_4, window_bounds = array<i64: 1, 1024>}, {pipeline_mode = #tpu.pipeline_mode<synchronous>, transform_indices = @transform_5, window_bounds = array<i64: 512, 1024>}, {pipeline_mode = #tpu.pipeline_mode<synchronous>, transform_indices = @transform_6, window_bounds = array<i64: 1, 1024>}, {pipeline_mode = #tpu.pipeline_mode<synchronous>, transform_indices = @transform_7, window_bounds = array<i64: 1024, 1024>}, {pipeline_mode = #tpu.pipeline_mode<synchronous>, transform_indices = @transform_8, window_bounds = array<i64: 1, 1024>}, {transform_indices = @transform_9, window_bounds = array<i64: 1, 128, 512>}, {pipeline_mode = #tpu.pipeline_mode<synchronous>, transform_indices = @transform_10, window_bounds = array<i64: 1024, 128>}, {pipeline_mode = #tpu.pipeline_mode<synchronous>, transform_indices = @transform_11, window_bounds = array<i64: 1, 1, 512>}, {transform_indices = @transform_12, window_bounds = array<i64: 128, 512>}, {transform_indices = @transform_13, window_bounds = array<i64: 128, 512>}, {transform_indices = @transform_14, window_bounds = array<i64: 128, 8, 512>}, {transform_indices = @transform_15, window_bounds = array<i64: 128, 64>}]} {
    %eq3A = arith.constant 0 : i32
    %eq3A_0 = arith.cmpi eq, %arg1, %eq3A : i32
    %convert_element_type3A = arith.extui %eq3A_0 : i1 to i32
    %cond3A = arith.constant 0 : i32
    %cond3A_1 = arith.cmpi ne, %convert_element_type3A, %cond3A : i32
    scf.if %cond3A_1 {
      %get3A_98 = arith.constant 0 : index
      %get3A_99 = arith.constant 0 : index
      %get3A_100 = vector.load %arg2[%get3A_98, %get3A_99] : memref<128x1024xf32, #tpu.memory_space<vmem>>, vector<128x1024xf32>
      %get3A_101 = arith.constant 0 : index
      %get3A_102 = arith.constant 0 : index
      %get3A_103 = vector.load %arg3[%get3A_101, %get3A_102] : memref<1024x1024xf32, #tpu.memory_space<vmem>>, vector<1024x1024xf32>
      %dot_general3A_104 = arith.constant dense<0.000000e+00> : vector<128x1024xf32>
      %dot_general3A_105 = tpu.matmul %get3A_100, %get3A_103, %dot_general3A_104 {dimension_numbers = #tpu.dot_dimension_numbers<[1], [0], [0], [1], [0, 0, 1, 1], [], []>, transpose_lhs_hint = false} : vector<128x1024xf32>, vector<1024x1024xf32>, vector<128x1024xf32> -> vector<128x1024xf32>
      %get3A_106 = arith.constant 0 : index
      %get3A_107 = arith.constant 0 : index
      %get3A_108 = vector.load %arg4[%get3A_106, %get3A_107] : memref<1x1024xf32, #tpu.memory_space<vmem>>, vector<1x1024xf32>
      %add3A_109 = vector.broadcast %get3A_108 : vector<1x1024xf32> to vector<128x1024xf32>
      %add3A_110 = arith.addf %dot_general3A_105, %add3A_109 : vector<128x1024xf32>
      %max3A = arith.constant 0.000000e+00 : f32
      %max3A_111 = vector.broadcast %max3A : f32 to vector<128x1024xf32>
      %max3A_112 = arith.maximumf %add3A_110, %max3A_111 : vector<128x1024xf32>
      %get3A_113 = arith.constant 0 : index
      %get3A_114 = arith.constant 0 : index
      %get3A_115 = vector.load %arg5[%get3A_113, %get3A_114] : memref<1024x1024xf32, #tpu.memory_space<vmem>>, vector<1024x1024xf32>
      %dot_general3A_116 = arith.constant dense<0.000000e+00> : vector<128x1024xf32>
      %dot_general3A_117 = tpu.matmul %max3A_112, %get3A_115, %dot_general3A_116 {dimension_numbers = #tpu.dot_dimension_numbers<[1], [0], [0], [1], [0, 0, 1, 1], [], []>, transpose_lhs_hint = false} : vector<128x1024xf32>, vector<1024x1024xf32>, vector<128x1024xf32> -> vector<128x1024xf32>
      %get3A_118 = arith.constant 0 : index
      %get3A_119 = arith.constant 0 : index
      %get3A_120 = vector.load %arg6[%get3A_118, %get3A_119] : memref<1x1024xf32, #tpu.memory_space<vmem>>, vector<1x1024xf32>
      %add3A_121 = vector.broadcast %get3A_120 : vector<1x1024xf32> to vector<128x1024xf32>
      %add3A_122 = arith.addf %dot_general3A_117, %add3A_121 : vector<128x1024xf32>
      %slice3A = vector.extract_strided_slice %add3A_122 {offsets = [0, 0], sizes = [128, 512], strides = [1, 1]} : vector<128x1024xf32> to vector<128x512xf32>
      %get3A_123 = arith.constant 0 : index
      %get3A_124 = arith.constant 0 : index
      %get3A_125 = vector.load %arg7[%get3A_123, %get3A_124] : memref<512x1024xf32, #tpu.memory_space<vmem>>, vector<512x1024xf32>
      %dot_general3A_126 = arith.constant dense<0.000000e+00> : vector<128x1024xf32>
      %dot_general3A_127 = tpu.matmul %slice3A, %get3A_125, %dot_general3A_126 {dimension_numbers = #tpu.dot_dimension_numbers<[1], [0], [0], [1], [0, 0, 1, 1], [], []>, transpose_lhs_hint = false} : vector<128x512xf32>, vector<512x1024xf32>, vector<128x1024xf32> -> vector<128x1024xf32>
      %get3A_128 = arith.constant 0 : index
      %get3A_129 = arith.constant 0 : index
      %get3A_130 = vector.load %arg8[%get3A_128, %get3A_129] : memref<1x1024xf32, #tpu.memory_space<vmem>>, vector<1x1024xf32>
      %add3A_131 = vector.broadcast %get3A_130 : vector<1x1024xf32> to vector<128x1024xf32>
      %add3A_132 = arith.addf %dot_general3A_127, %add3A_131 : vector<128x1024xf32>
      %max3A_133 = arith.constant 0.000000e+00 : f32
      %max3A_134 = vector.broadcast %max3A_133 : f32 to vector<128x1024xf32>
      %max3A_135 = arith.maximumf %add3A_132, %max3A_134 : vector<128x1024xf32>
      %get3A_136 = arith.constant 0 : index
      %get3A_137 = arith.constant 0 : index
      %get3A_138 = vector.load %arg9[%get3A_136, %get3A_137] : memref<1024x1024xf32, #tpu.memory_space<vmem>>, vector<1024x1024xf32>
      %dot_general3A_139 = arith.constant dense<0.000000e+00> : vector<128x1024xf32>
      %dot_general3A_140 = tpu.matmul %max3A_135, %get3A_138, %dot_general3A_139 {dimension_numbers = #tpu.dot_dimension_numbers<[1], [0], [0], [1], [0, 0, 1, 1], [], []>, transpose_lhs_hint = false} : vector<128x1024xf32>, vector<1024x1024xf32>, vector<128x1024xf32> -> vector<128x1024xf32>
      %get3A_141 = arith.constant 0 : index
      %get3A_142 = arith.constant 0 : index
      %get3A_143 = vector.load %arg10[%get3A_141, %get3A_142] : memref<1x1024xf32, #tpu.memory_space<vmem>>, vector<1x1024xf32>
      %add3A_144 = vector.broadcast %get3A_143 : vector<1x1024xf32> to vector<128x1024xf32>
      %add3A_145 = arith.addf %dot_general3A_140, %add3A_144 : vector<128x1024xf32>
      %swap3A_146 = arith.constant 0 : index
      %swap3A_147 = arith.constant 0 : index
      %swap3A_148 = vector.load %arg14[%swap3A_146, %swap3A_147] : memref<128x512xf32, #tpu.memory_space<vmem>>, vector<128x512xf32>
      tpu.vector_store %arg14[%swap3A_146, %swap3A_147], %slice3A {strides = array<i32>} : memref<128x512xf32, #tpu.memory_space<vmem>>, vector<128x512xf32>,
      %slice3A_149 = vector.extract_strided_slice %add3A_122 {offsets = [0, 512], sizes = [128, 512], strides = [1, 1]} : vector<128x1024xf32> to vector<128x512xf32>
      %swap3A_150 = arith.constant 0 : index
      %swap3A_151 = arith.constant 0 : index
      %swap3A_152 = vector.load %arg15[%swap3A_150, %swap3A_151] : memref<128x512xf32, #tpu.memory_space<vmem>>, vector<128x512xf32>
      tpu.vector_store %arg15[%swap3A_150, %swap3A_151], %slice3A_149 {strides = array<i32>} : memref<128x512xf32, #tpu.memory_space<vmem>>, vector<128x512xf32>,
      %slice3A_153 = vector.extract_strided_slice %add3A_145 {offsets = [0, 0], sizes = [128, 128], strides = [1, 1]} : vector<128x1024xf32> to vector<128x128xf32>
      %swap3A_154 = arith.constant 0 : index
      %swap3A_155 = arith.constant 0 : index
      %swap3A_156 = arith.constant 0 : index
      %swap3A_157 = vector.load %arg18[%swap3A_154, %swap3A_155, %swap3A_156] : memref<8x128x128xf32, #tpu.memory_space<vmem>>, vector<1x128x128xf32>
      %swap3A_158 = vector.shape_cast %swap3A_157 : vector<1x128x128xf32> to vector<128x128xf32>
      %swap3A_159 = vector.shape_cast %slice3A_153 : vector<128x128xf32> to vector<1x128x128xf32>
      tpu.vector_store %arg18[%swap3A_154, %swap3A_155, %swap3A_156], %swap3A_159 {strides = array<i32>} : memref<8x128x128xf32, #tpu.memory_space<vmem>>, vector<1x128x128xf32>,
      %slice3A_160 = vector.extract_strided_slice %add3A_145 {offsets = [0, 128], sizes = [128, 128], strides = [1, 1]} : vector<128x1024xf32> to vector<128x128xf32>
      %swap3A_161 = arith.constant 1 : index
      %swap3A_162 = arith.constant 0 : index
      %swap3A_163 = arith.constant 0 : index
      %swap3A_164 = vector.load %arg18[%swap3A_161, %swap3A_162, %swap3A_163] : memref<8x128x128xf32, #tpu.memory_space<vmem>>, vector<1x128x128xf32>
      %swap3A_165 = vector.shape_cast %swap3A_164 : vector<1x128x128xf32> to vector<128x128xf32>
      %swap3A_166 = vector.shape_cast %slice3A_160 : vector<128x128xf32> to vector<1x128x128xf32>
      tpu.vector_store %arg18[%swap3A_161, %swap3A_162, %swap3A_163], %swap3A_166 {strides = array<i32>} : memref<8x128x128xf32, #tpu.memory_space<vmem>>, vector<1x128x128xf32>,
      %slice3A_167 = vector.extract_strided_slice %add3A_145 {offsets = [0, 256], sizes = [128, 128], strides = [1, 1]} : vector<128x1024xf32> to vector<128x128xf32>
      %swap3A_168 = arith.constant 2 : index
      %swap3A_169 = arith.constant 0 : index
      %swap3A_170 = arith.constant 0 : index
      %swap3A_171 = vector.load %arg18[%swap3A_168, %swap3A_169, %swap3A_170] : memref<8x128x128xf32, #tpu.memory_space<vmem>>, vector<1x128x128xf32>
      %swap3A_172 = vector.shape_cast %swap3A_171 : vector<1x128x128xf32> to vector<128x128xf32>
      %swap3A_173 = vector.shape_cast %slice3A_167 : vector<128x128xf32> to vector<1x128x128xf32>
      tpu.vector_store %arg18[%swap3A_168, %swap3A_169, %swap3A_170], %swap3A_173 {strides = array<i32>} : memref<8x128x128xf32, #tpu.memory_space<vmem>>, vector<1x128x128xf32>,
      %slice3A_174 = vector.extract_strided_slice %add3A_145 {offsets = [0, 384], sizes = [128, 128], strides = [1, 1]} : vector<128x1024xf32> to vector<128x128xf32>
      %swap3A_175 = arith.constant 3 : index
      %swap3A_176 = arith.constant 0 : index
      %swap3A_177 = arith.constant 0 : index
      %swap3A_178 = vector.load %arg18[%swap3A_175, %swap3A_176, %swap3A_177] : memref<8x128x128xf32, #tpu.memory_space<vmem>>, vector<1x128x128xf32>
      %swap3A_179 = vector.shape_cast %swap3A_178 : vector<1x128x128xf32> to vector<128x128xf32>
      %swap3A_180 = vector.shape_cast %slice3A_174 : vector<128x128xf32> to vector<1x128x128xf32>
      tpu.vector_store %arg18[%swap3A_175, %swap3A_176, %swap3A_177], %swap3A_180 {strides = array<i32>} : memref<8x128x128xf32, #tpu.memory_space<vmem>>, vector<1x128x128xf32>,
      %slice3A_181 = vector.extract_strided_slice %add3A_145 {offsets = [0, 512], sizes = [128, 128], strides = [1, 1]} : vector<128x1024xf32> to vector<128x128xf32>
      %swap3A_182 = arith.constant 4 : index
      %swap3A_183 = arith.constant 0 : index
      %swap3A_184 = arith.constant 0 : index
      %swap3A_185 = vector.load %arg18[%swap3A_182, %swap3A_183, %swap3A_184] : memref<8x128x128xf32, #tpu.memory_space<vmem>>, vector<1x128x128xf32>
      %swap3A_186 = vector.shape_cast %swap3A_185 : vector<1x128x128xf32> to vector<128x128xf32>
      %swap3A_187 = vector.shape_cast %slice3A_181 : vector<128x128xf32> to vector<1x128x128xf32>
      tpu.vector_store %arg18[%swap3A_182, %swap3A_183, %swap3A_184], %swap3A_187 {strides = array<i32>} : memref<8x128x128xf32, #tpu.memory_space<vmem>>, vector<1x128x128xf32>,
      %slice3A_188 = vector.extract_strided_slice %add3A_145 {offsets = [0, 640], sizes = [128, 128], strides = [1, 1]} : vector<128x1024xf32> to vector<128x128xf32>
      %swap3A_189 = arith.constant 5 : index
      %swap3A_190 = arith.constant 0 : index
      %swap3A_191 = arith.constant 0 : index
      %swap3A_192 = vector.load %arg18[%swap3A_189, %swap3A_190, %swap3A_191] : memref<8x128x128xf32, #tpu.memory_space<vmem>>, vector<1x128x128xf32>
      %swap3A_193 = vector.shape_cast %swap3A_192 : vector<1x128x128xf32> to vector<128x128xf32>
      %swap3A_194 = vector.shape_cast %slice3A_188 : vector<128x128xf32> to vector<1x128x128xf32>
      tpu.vector_store %arg18[%swap3A_189, %swap3A_190, %swap3A_191], %swap3A_194 {strides = array<i32>} : memref<8x128x128xf32, #tpu.memory_space<vmem>>, vector<1x128x128xf32>,
      %slice3A_195 = vector.extract_strided_slice %add3A_145 {offsets = [0, 768], sizes = [128, 128], strides = [1, 1]} : vector<128x1024xf32> to vector<128x128xf32>
      %swap3A_196 = arith.constant 6 : index
      %swap3A_197 = arith.constant 0 : index
      %swap3A_198 = arith.constant 0 : index
      %swap3A_199 = vector.load %arg18[%swap3A_196, %swap3A_197, %swap3A_198] : memref<8x128x128xf32, #tpu.memory_space<vmem>>, vector<1x128x128xf32>
      %swap3A_200 = vector.shape_cast %swap3A_199 : vector<1x128x128xf32> to vector<128x128xf32>
      %swap3A_201 = vector.shape_cast %slice3A_195 : vector<128x128xf32> to vector<1x128x128xf32>
      tpu.vector_store %arg18[%swap3A_196, %swap3A_197, %swap3A_198], %swap3A_201 {strides = array<i32>} : memref<8x128x128xf32, #tpu.memory_space<vmem>>, vector<1x128x128xf32>,
      %slice3A_202 = vector.extract_strided_slice %add3A_145 {offsets = [0, 896], sizes = [128, 128], strides = [1, 1]} : vector<128x1024xf32> to vector<128x128xf32>
      %swap3A_203 = arith.constant 7 : index
      %swap3A_204 = arith.constant 0 : index
      %swap3A_205 = arith.constant 0 : index
      %swap3A_206 = vector.load %arg18[%swap3A_203, %swap3A_204, %swap3A_205] : memref<8x128x128xf32, #tpu.memory_space<vmem>>, vector<1x128x128xf32>
      %swap3A_207 = vector.shape_cast %swap3A_206 : vector<1x128x128xf32> to vector<128x128xf32>
      %swap3A_208 = vector.shape_cast %slice3A_202 : vector<128x128xf32> to vector<1x128x128xf32>
      tpu.vector_store %arg18[%swap3A_203, %swap3A_204, %swap3A_205], %swap3A_208 {strides = array<i32>} : memref<8x128x128xf32, #tpu.memory_space<vmem>>, vector<1x128x128xf32>,
    } else {
    }
    %get3A = arith.index_cast %arg1 : i32 to index
    %get3A_2 = arith.constant 0 : index
    %get3A_3 = arith.constant 0 : index
    %get3A_4 = vector.load %arg18[%get3A, %get3A_2, %get3A_3] : memref<8x128x128xf32, #tpu.memory_space<vmem>>, vector<1x128x128xf32>
    %get3A_5 = vector.shape_cast %get3A_4 : vector<1x128x128xf32> to vector<128x128xf32>
    %get3A_6 = arith.constant 0 : index
    %get3A_7 = arith.constant 0 : index
    %get3A_8 = arith.constant 0 : index
    %get3A_9 = vector.load %arg11[%get3A_6, %get3A_7, %get3A_8] : memref<1x128x512xf32, #tpu.memory_space<vmem>>, vector<1x128x512xf32>
    %get3A_10 = vector.shape_cast %get3A_9 : vector<1x128x512xf32> to vector<128x512xf32>
    %broadcast_in_dim3A = vector.shape_cast %get3A_5 : vector<128x128xf32> to vector<128x1x128xf32>
    %broadcast_in_dim3A_11 = vector.shape_cast %broadcast_in_dim3A : vector<128x1x128xf32> to vector<128x1x128xf32>
    %broadcast_in_dim3A_12 = vector.broadcast %broadcast_in_dim3A_11 : vector<128x1x128xf32> to vector<128x8x128xf32>
    %reshape3A = vector.shape_cast %broadcast_in_dim3A_12 : vector<128x8x128xf32> to vector<1024x128xf32>
    %get3A_13 = arith.constant 0 : index
    %get3A_14 = arith.constant 0 : index
    %get3A_15 = vector.load %arg12[%get3A_13, %get3A_14] : memref<1024x128xf32, #tpu.memory_space<vmem>>, vector<1024x128xf32>
    %mul3A = arith.mulf %reshape3A, %get3A_15 : vector<1024x128xf32>
    %dot_general3A = arith.constant dense<0.000000e+00> : vector<1024x512xf32>
    %dot_general3A_16 = tpu.matmul %mul3A, %get3A_10, %dot_general3A {dimension_numbers = #tpu.dot_dimension_numbers<[1], [0], [0], [1], [0, 0, 1, 1], [], []>, transpose_lhs_hint = false} : vector<1024x128xf32>, vector<128x512xf32>, vector<1024x512xf32> -> vector<1024x512xf32>
    %mul3A_17 = arith.mulf %mul3A, %mul3A : vector<1024x128xf32>
    %broadcast_in_dim3A_18 = arith.constant 1.000000e+00 : f32
    %broadcast_in_dim3A_19 = vector.broadcast %broadcast_in_dim3A_18 : f32 to vector<128x1xf32>
    %dot_general3A_20 = arith.constant dense<0.000000e+00> : vector<1024x1xf32>
    %dot_general3A_21 = tpu.matmul %mul3A_17, %broadcast_in_dim3A_19, %dot_general3A_20 {dimension_numbers = #tpu.dot_dimension_numbers<[1], [0], [0], [1], [0, 0, 1, 1], [], []>, transpose_lhs_hint = false} : vector<1024x128xf32>, vector<128x1xf32>, vector<1024x1xf32> -> vector<1024x1xf32>
    %mul3A_22 = arith.mulf %get3A_10, %get3A_10 : vector<128x512xf32>
    %reshape3A_23 = vector.shape_cast %mul3A_22 : vector<128x512xf32> to vector<8x16x512xf32>
    %reduce_sum3A = arith.constant dense<0.000000e+00> : vector<8x512xf32>
    %reduce_sum3A_24 = vector.multi_reduction <add>, %reshape3A_23, %reduce_sum3A [1] : vector<8x16x512xf32> to vector<8x512xf32>
    %reshape3A_25 = vector.shape_cast %dot_general3A_21 : vector<1024x1xf32> to vector<128x8x1xf32>
    %broadcast_in_dim3A_26 = vector.shape_cast %reduce_sum3A_24 : vector<8x512xf32> to vector<1x8x512xf32>
    %add3A = vector.broadcast %reshape3A_25 : vector<128x8x1xf32> to vector<128x8x512xf32>
    %add3A_27 = vector.broadcast %broadcast_in_dim3A_26 : vector<1x8x512xf32> to vector<128x8x512xf32>
    %add3A_28 = arith.addf %add3A, %add3A_27 : vector<128x8x512xf32>
    %reshape3A_29 = vector.shape_cast %dot_general3A_16 : vector<1024x512xf32> to vector<128x8x512xf32>
    %mul3A_30 = arith.constant 2.000000e+00 : f32
    %mul3A_31 = vector.broadcast %mul3A_30 : f32 to vector<128x8x512xf32>
    %mul3A_32 = arith.mulf %mul3A_31, %reshape3A_29 : vector<128x8x512xf32>
    %sub3A = arith.subf %add3A_28, %mul3A_32 : vector<128x8x512xf32>
    %swap3A = arith.constant 0 : index
    %swap3A_33 = arith.constant 0 : index
    %swap3A_34 = arith.constant 0 : index
    %swap3A_35 = vector.load %arg16[%swap3A, %swap3A_33, %swap3A_34] : memref<128x8x512xf32, #tpu.memory_space<vmem>>, vector<128x8x512xf32>
    tpu.vector_store %arg16[%swap3A, %swap3A_33, %swap3A_34], %sub3A {strides = array<i32>} : memref<128x8x512xf32, #tpu.memory_space<vmem>>, vector<128x8x512xf32>,
    %reduce_min3A = arith.constant dense<0x7F800000> : vector<128x8xf32>
    %reduce_min3A_36 = vector.multi_reduction <minimumf>, %sub3A, %reduce_min3A [2] : vector<128x8x512xf32> to vector<128x8xf32>
    %broadcast_in_dim3A_37 = vector.shape_cast %reduce_min3A_36 : vector<128x8xf32> to vector<128x8x1xf32>
    %get3A_38 = arith.constant 0 : index
    %get3A_39 = arith.constant 0 : index
    %get3A_40 = arith.constant 0 : index
    %get3A_41 = vector.load %arg13[%get3A_38, %get3A_39, %get3A_40] : memref<1x1x512xf32, #tpu.memory_space<vmem>>, vector<1x1x512xf32>
    %eq3A_42 = vector.broadcast %broadcast_in_dim3A_37 : vector<128x8x1xf32> to vector<128x8x512xf32>
    %eq3A_43 = arith.cmpf oeq, %sub3A, %eq3A_42 : vector<128x8x512xf32>
    %jit3A = arith.constant 5.120000e+02 : f32
    %broadcast_in_dim3A_44 = vector.shape_cast %get3A_41 : vector<1x1x512xf32> to vector<1x1x512xf32>
    %broadcast_in_dim3A_45 = vector.broadcast %broadcast_in_dim3A_44 : vector<1x1x512xf32> to vector<128x8x512xf32>
    %broadcast_in_dim3A_46 = vector.broadcast %jit3A : f32 to vector<128x8x512xf32>
    %select_n3A = arith.select %eq3A_43, %broadcast_in_dim3A_45, %broadcast_in_dim3A_46 : vector<128x8x512xi1>, vector<128x8x512xf32>
    %reduce_min3A_47 = arith.constant dense<0x7F800000> : vector<128x8xf32>
    %reduce_min3A_48 = vector.multi_reduction <minimumf>, %select_n3A, %reduce_min3A_47 [2] : vector<128x8x512xf32> to vector<128x8xf32>
    %iota3A = tpu.iota {dimensions = array<i32: 1>} : vector<128x8xi32>
    %mul3A_49 = arith.constant 8 : i32
    %mul3A_50 = arith.muli %arg1, %mul3A_49 : i32
    %add3A_51 = vector.broadcast %mul3A_50 : i32 to vector<128x8xi32>
    %add3A_52 = arith.addi %iota3A, %add3A_51 : vector<128x8xi32>
    %convert_element_type3A_53 = arith.fptosi %reduce_min3A_48 : vector<128x8xf32> to vector<128x8xi32>
    %mul3A_54 = arith.constant 512 : i32
    %mul3A_55 = vector.broadcast %mul3A_54 : i32 to vector<128x8xi32>
    %mul3A_56 = arith.muli %add3A_52, %mul3A_55 : vector<128x8xi32>
    %add3A_57 = arith.addi %convert_element_type3A_53, %mul3A_56 : vector<128x8xi32>
    %eq3A_58 = arith.constant 0 : i32
    %eq3A_59 = arith.cmpi eq, %arg1, %eq3A_58 : i32
    %convert_element_type3A_60 = arith.extui %eq3A_59 : i1 to i32
    %cond3A_61 = arith.constant 0 : i32
    %cond3A_62 = arith.cmpi ne, %convert_element_type3A_60, %cond3A_61 : i32
    scf.if %cond3A_62 {
      %swap3A_98 = arith.constant 0 : index
      %swap3A_99 = arith.constant 0 : index
      %swap3A_100 = vector.load %arg17[%swap3A_98, %swap3A_99] : memref<128x64xi32, #tpu.memory_space<vmem>>, vector<128x8xi32>
      tpu.vector_store %arg17[%swap3A_98, %swap3A_99], %add3A_57 {strides = array<i32>} : memref<128x64xi32, #tpu.memory_space<vmem>>, vector<128x8xi32>,
    } else {
    }
    %eq3A_63 = arith.constant 1 : i32
    %eq3A_64 = arith.cmpi eq, %arg1, %eq3A_63 : i32
    %convert_element_type3A_65 = arith.extui %eq3A_64 : i1 to i32
    %cond3A_66 = arith.constant 0 : i32
    %cond3A_67 = arith.cmpi ne, %convert_element_type3A_65, %cond3A_66 : i32
    scf.if %cond3A_67 {
      %swap3A_98 = arith.constant 0 : index
      %swap3A_99 = arith.constant 8 : index
      %swap3A_100 = vector.load %arg17[%swap3A_98, %swap3A_99] : memref<128x64xi32, #tpu.memory_space<vmem>>, vector<128x8xi32>
      tpu.vector_store %arg17[%swap3A_98, %swap3A_99], %add3A_57 {strides = array<i32>} : memref<128x64xi32, #tpu.memory_space<vmem>>, vector<128x8xi32>,
    } else {
    }
    %eq3A_68 = arith.constant 2 : i32
    %eq3A_69 = arith.cmpi eq, %arg1, %eq3A_68 : i32
    %convert_element_type3A_70 = arith.extui %eq3A_69 : i1 to i32
    %cond3A_71 = arith.constant 0 : i32
    %cond3A_72 = arith.cmpi ne, %convert_element_type3A_70, %cond3A_71 : i32
    scf.if %cond3A_72 {
      %swap3A_98 = arith.constant 0 : index
      %swap3A_99 = arith.constant 16 : index
      %swap3A_100 = vector.load %arg17[%swap3A_98, %swap3A_99] : memref<128x64xi32, #tpu.memory_space<vmem>>, vector<128x8xi32>
      tpu.vector_store %arg17[%swap3A_98, %swap3A_99], %add3A_57 {strides = array<i32>} : memref<128x64xi32, #tpu.memory_space<vmem>>, vector<128x8xi32>,
    } else {
    }
    %eq3A_73 = arith.constant 3 : i32
    %eq3A_74 = arith.cmpi eq, %arg1, %eq3A_73 : i32
    %convert_element_type3A_75 = arith.extui %eq3A_74 : i1 to i32
    %cond3A_76 = arith.constant 0 : i32
    %cond3A_77 = arith.cmpi ne, %convert_element_type3A_75, %cond3A_76 : i32
    scf.if %cond3A_77 {
      %swap3A_98 = arith.constant 0 : index
      %swap3A_99 = arith.constant 24 : index
      %swap3A_100 = vector.load %arg17[%swap3A_98, %swap3A_99] : memref<128x64xi32, #tpu.memory_space<vmem>>, vector<128x8xi32>
      tpu.vector_store %arg17[%swap3A_98, %swap3A_99], %add3A_57 {strides = array<i32>} : memref<128x64xi32, #tpu.memory_space<vmem>>, vector<128x8xi32>,
    } else {
    }
    %eq3A_78 = arith.constant 4 : i32
    %eq3A_79 = arith.cmpi eq, %arg1, %eq3A_78 : i32
    %convert_element_type3A_80 = arith.extui %eq3A_79 : i1 to i32
    %cond3A_81 = arith.constant 0 : i32
    %cond3A_82 = arith.cmpi ne, %convert_element_type3A_80, %cond3A_81 : i32
    scf.if %cond3A_82 {
      %swap3A_98 = arith.constant 0 : index
      %swap3A_99 = arith.constant 32 : index
      %swap3A_100 = vector.load %arg17[%swap3A_98, %swap3A_99] : memref<128x64xi32, #tpu.memory_space<vmem>>, vector<128x8xi32>
      tpu.vector_store %arg17[%swap3A_98, %swap3A_99], %add3A_57 {strides = array<i32>} : memref<128x64xi32, #tpu.memory_space<vmem>>, vector<128x8xi32>,
    } else {
    }
    %eq3A_83 = arith.constant 5 : i32
    %eq3A_84 = arith.cmpi eq, %arg1, %eq3A_83 : i32
    %convert_element_type3A_85 = arith.extui %eq3A_84 : i1 to i32
    %cond3A_86 = arith.constant 0 : i32
    %cond3A_87 = arith.cmpi ne, %convert_element_type3A_85, %cond3A_86 : i32
    scf.if %cond3A_87 {
      %swap3A_98 = arith.constant 0 : index
      %swap3A_99 = arith.constant 40 : index
      %swap3A_100 = vector.load %arg17[%swap3A_98, %swap3A_99] : memref<128x64xi32, #tpu.memory_space<vmem>>, vector<128x8xi32>
      tpu.vector_store %arg17[%swap3A_98, %swap3A_99], %add3A_57 {strides = array<i32>} : memref<128x64xi32, #tpu.memory_space<vmem>>, vector<128x8xi32>,
    } else {
    }
    %eq3A_88 = arith.constant 6 : i32
    %eq3A_89 = arith.cmpi eq, %arg1, %eq3A_88 : i32
    %convert_element_type3A_90 = arith.extui %eq3A_89 : i1 to i32
    %cond3A_91 = arith.constant 0 : i32
    %cond3A_92 = arith.cmpi ne, %convert_element_type3A_90, %cond3A_91 : i32
    scf.if %cond3A_92 {
      %swap3A_98 = arith.constant 0 : index
      %swap3A_99 = arith.constant 48 : index
      %swap3A_100 = vector.load %arg17[%swap3A_98, %swap3A_99] : memref<128x64xi32, #tpu.memory_space<vmem>>, vector<128x8xi32>
      tpu.vector_store %arg17[%swap3A_98, %swap3A_99], %add3A_57 {strides = array<i32>} : memref<128x64xi32, #tpu.memory_space<vmem>>, vector<128x8xi32>,
    } else {
    }
    %eq3A_93 = arith.constant 7 : i32
    %eq3A_94 = arith.cmpi eq, %arg1, %eq3A_93 : i32
    %convert_element_type3A_95 = arith.extui %eq3A_94 : i1 to i32
    %cond3A_96 = arith.constant 0 : i32
    %cond3A_97 = arith.cmpi ne, %convert_element_type3A_95, %cond3A_96 : i32
    scf.if %cond3A_97 {
      %swap3A_98 = arith.constant 0 : index
      %swap3A_99 = arith.constant 56 : index
      %swap3A_100 = vector.load %arg17[%swap3A_98, %swap3A_99] : memref<128x64xi32, #tpu.memory_space<vmem>>, vector<128x8xi32>
      tpu.vector_store %arg17[%swap3A_98, %swap3A_99], %add3A_57 {strides = array<i32>} : memref<128x64xi32, #tpu.memory_space<vmem>>, vector<128x8xi32>,
    } else {
    }
    return
  }
  func.func @transform_0(%arg0: i32, %arg1: i32) -> (i32, i32) {
    %c0_i32 = arith.constant 0 : i32
    %c0_i32_0 = arith.constant 0 : i32
    return %arg0, %c0_i32 : i32, i32
  }
  func.func @transform_1(%arg0: i32, %arg1: i32) -> (i32, i32) {
    %c0_i32 = arith.constant 0 : i32
    %c0_i32_0 = arith.constant 0 : i32
    %c0_i32_1 = arith.constant 0 : i32
    return %c0_i32, %c0_i32_0 : i32, i32
  }
  func.func @transform_2(%arg0: i32, %arg1: i32) -> (i32, i32) {
    %c0_i32 = arith.constant 0 : i32
    %c0_i32_0 = arith.constant 0 : i32
    %c0_i32_1 = arith.constant 0 : i32
    return %c0_i32, %c0_i32_0 : i32, i32
  }
  func.func @transform_3(%arg0: i32, %arg1: i32) -> (i32, i32) {
    %c0_i32 = arith.constant 0 : i32
    %c0_i32_0 = arith.constant 0 : i32
    %c0_i32_1 = arith.constant 0 : i32
    return %c0_i32, %c0_i32_0 : i32, i32
  }
  func.func @transform_4(%arg0: i32, %arg1: i32) -> (i32, i32) {
    %c0_i32 = arith.constant 0 : i32
    %c0_i32_0 = arith.constant 0 : i32
    %c0_i32_1 = arith.constant 0 : i32
    return %c0_i32, %c0_i32_0 : i32, i32
  }
  func.func @transform_5(%arg0: i32, %arg1: i32) -> (i32, i32) {
    %c0_i32 = arith.constant 0 : i32
    %c0_i32_0 = arith.constant 0 : i32
    %c0_i32_1 = arith.constant 0 : i32
    return %c0_i32, %c0_i32_0 : i32, i32
  }
  func.func @transform_6(%arg0: i32, %arg1: i32) -> (i32, i32) {
    %c0_i32 = arith.constant 0 : i32
    %c0_i32_0 = arith.constant 0 : i32
    %c0_i32_1 = arith.constant 0 : i32
    return %c0_i32, %c0_i32_0 : i32, i32
  }
  func.func @transform_7(%arg0: i32, %arg1: i32) -> (i32, i32) {
    %c0_i32 = arith.constant 0 : i32
    %c0_i32_0 = arith.constant 0 : i32
    %c0_i32_1 = arith.constant 0 : i32
    return %c0_i32, %c0_i32_0 : i32, i32
  }
  func.func @transform_8(%arg0: i32, %arg1: i32) -> (i32, i32) {
    %c0_i32 = arith.constant 0 : i32
    %c0_i32_0 = arith.constant 0 : i32
    %c0_i32_1 = arith.constant 0 : i32
    return %c0_i32, %c0_i32_0 : i32, i32
  }
  func.func @transform_9(%arg0: i32, %arg1: i32) -> (i32, i32, i32) {
    %c0_i32 = arith.constant 0 : i32
    %c0_i32_0 = arith.constant 0 : i32
    %c0_i32_1 = arith.constant 0 : i32
    return %arg1, %c0_i32, %c0_i32_0 : i32, i32, i32
  }
  func.func @transform_10(%arg0: i32, %arg1: i32) -> (i32, i32) {
    %c0_i32 = arith.constant 0 : i32
    %c0_i32_0 = arith.constant 0 : i32
    %c0_i32_1 = arith.constant 0 : i32
    return %c0_i32, %c0_i32_0 : i32, i32
  }
  func.func @transform_11(%arg0: i32, %arg1: i32) -> (i32, i32, i32) {
    %c0_i32 = arith.constant 0 : i32
    %c0_i32_0 = arith.constant 0 : i32
    %c0_i32_1 = arith.constant 0 : i32
    %c0_i32_2 = arith.constant 0 : i32
    return %c0_i32, %c0_i32_0, %c0_i32_1 : i32, i32, i32
  }
  func.func @transform_12(%arg0: i32, %arg1: i32) -> (i32, i32) {
    %c0_i32 = arith.constant 0 : i32
    %c0_i32_0 = arith.constant 0 : i32
    return %arg0, %c0_i32 : i32, i32
  }
  func.func @transform_13(%arg0: i32, %arg1: i32) -> (i32, i32) {
    %c0_i32 = arith.constant 0 : i32
    %c0_i32_0 = arith.constant 0 : i32
    return %arg0, %c0_i32 : i32, i32
  }
  func.func @transform_14(%arg0: i32, %arg1: i32) -> (i32, i32, i32) {
    %c0_i32 = arith.constant 0 : i32
    %c0_i32_0 = arith.constant 0 : i32
    return %arg0, %arg1, %c0_i32 : i32, i32, i32
  }
  func.func @transform_15(%arg0: i32, %arg1: i32) -> (i32, i32) {
    %c0_i32 = arith.constant 0 : i32
    %c0_i32_0 = arith.constant 0 : i32
    return %arg0, %c0_i32 : i32, i32
  }
}

</mosaic_0001>

<sc_bundles>
// kernel: kernel.4.cloned.1.call-start
scs
__scs_entry_jumppad:
0x0: {  	(pc) =	sbr.rel $0x88, $3  }
0x1: {  	(tag) =	ssettag $0x0;
	lr =	simm.s32 $0x1  }
0x2: {  	[smem:$0x3F97] =	sst lr;
	_ =	strace $0xD0000000  }
0x3: {  	_ = 	snop  }
0x4: {  	_ = 	snop  }
0x5: {  	_ = 	snop  }
0x6: {  	_ = 	snop  }
0x7: {  	_ = 	snop  }
__scs_overlays_trampoline_lowered:
0x8: {  	[smem:$0x3FA6] =	sst s0  }
0x9: {  	[smem:$0x3FA7] =	sst s1  }
0xa: {  	[smem:$0x3FA8] =	sst s2  }
0xb: {  	[smem:$0x3FA9] =	sst s3  }
0xc: {  	[smem:$0x3FAA] =	sst s4  }
0xd: {  	[smem:$0x3FAB] =	sst s5  }
0xe: {  	[smem:$0x3FAC] =	sst s6  }
0xf: {  	[smem:$0x3FAD] =	sst s7  }
0x10: {  	[smem:$0x3FAE] =	sst s8  }
0x11: {  	[smem:$0x3FAF] =	sst s9;
	s0 =	simm.s32 @!p0 $0x0  }
0x12: {  	s1 =	sld [smem:$0x3F95];
	s0 =	simm.s32 @p0 $0x1  }
0x13: {  	[smem:$0x3FB0] =	sst s0;
	s0 =	simm.s32 @!p1 $0x0  }
0x14: {  	s2 =	sld [smem:$0x3F94];
	s0 =	simm.s32 @p1 $0x1  }
0x15: {  	[smem:$0x3FB1] =	sst s0;
	s0 =	simm.s32 @!p2 $0x0  }
0x16: {  	s3 =	sld [smem:$0x3FDB];
	s0 =	simm.s32 @p2 $0x1  }
0x17: {  	s4 =	simm.s32 $0x1BF5;
	[smem:$0x3FB3] =	sst s0  }
0x18: {  	s0 =	sld [smem:$0x3F96];
	_ =	swait.ge [sflag:s4], $0x0  }
0x19: {  	s7 =	sld [smem:$0x3F97]  }
0x1a: {  	s8 =	sadd.s32 $0xFFFFE003, lr  }
0x1b: {  	s9 =	sadd.s32 $0xFFFFFEF7, lr;
	s5 =	simm.s32 $0xFFFFFFFF;
	p2 =	slt.u32 s8, $0xFFFFF086  }
0x1c: {  	p1 =	slt.u32 s9, $0xF7A;
	s5 =	simm.s32 @!p2 $0x0  }
0x1d: {  	s5 =	simm.s32 @p1 $0x1;
	p0 =	seq.s32 s7, s2  }
0x1e: {  	s7 =	smul.u32 @!p0 $0xF7A, s2;
	p2 =	seq.s32 @!p0 s5, $0x0  }
0x1f: {  	s9 =	smul.u32 $0xF7A, s1;
	s8 =	simm.s32 @!p0 $0x1BF5;
	p2 =	por !p2, p0  }
0x20: {  	[sflag:s8] =	ssyncset.s32 @!p0 $0xFFFFF086;
	s6 =	sadd.s32 @!p0 s3, s7;
	s7 =	simm.s32 @!p0 $0x108  }
0x21: {  	s3 =	sadd.s32 s3, s9;
	s6 =	sadd.s32 @!p0 $0x88, s6;
	s7 =	simm.s32 @p2 $0x1082  }
0x22: {  	[simem:s7], [sflag:s8] =	dma.local @!p0 [hbm:s6], $0xF7A  }
0x23: {  	s9 =	sor.u32 $0xD0000000, s2;
	s6 =	simm.s32 $0x108;
	_ =	swait.ge @!p0 [sflag:s8], $0x0  }
0x24: {  	s3 =	sadd.s32 $0x88, s3;
	s6 =	simm.s32 @!p1 $0x1082;
	[sflag:s4] =	ssyncset.s32 $0xFFFFF086  }
0x25: {  	[simem:s6], [sflag:s4] =	dma.local [hbm:s3], $0xF7A  }
0x26: {  	[smem:$0x3F97] =	sst s1;
	(tag) =	ssettag s2;
	_ =	strace s9  }
0x27: {  	s1 =	sld [smem:$0x3FA7]  }
0x28: {  	s2 =	sld [smem:$0x3FA8]  }
0x29: {  	s4 =	sld [smem:$0x3FAA]  }
0x2a: {  	p0 =	seq.s32 s5, $0x0;
	s5 =	sld [smem:$0x3FAB]  }
0x2b: {  	s6 =	sld [smem:$0x3FAC]  }
0x2c: {  	s7 =	sld [smem:$0x3FAD]  }
0x2d: {  	s3 =	simm.s32 $0x108;
	s8 =	sld [smem:$0x3FAE]  }
0x2e: {  	s3 =	simm.s32 @!p0 $0x1082;
	s9 =	sld [smem:$0x3FAF]  }
0x2f: {  	lr =	sadd.s32 s0, s3;
	s0 =	sld [smem:$0x3FA6]  }
0x30: {  	s3 =	sld [smem:$0x3FA9]  }
0x31: {  	[smem:$0x3FB2] =	sst s10  }
0x32: {  	s10 =	sld [smem:$0x3FB0];
	_ =	sdelay $0x3  }
0x33: {  	p0 =	seq.s32 s10, $0x1;
	s10 =	sld [smem:$0x3FB2];
	_ =	sdelay $0x3  }
0x34: {  	[smem:$0x3FB2] =	sst s10  }
0x35: {  	s10 =	sld [smem:$0x3FB1];
	_ =	sdelay $0x3  }
0x36: {  	p1 =	seq.s32 s10, $0x1;
	s10 =	sld [smem:$0x3FB2];
	_ =	sdelay $0x3  }
0x37: {  	[smem:$0x3FB2] =	sst s10  }
0x38: {  	s10 =	sld [smem:$0x3FB3]  }
0x39: {  	_ = 	snop;
	(pc) =	sbr.ind lr, $3  }
0x3a: {  	_ = 	snop  }
0x3b: {  	_ = 	snop  }
0x3c: {  	p2 =	seq.s32 s10, $0x1;
	s10 =	sld [smem:$0x3FB2]  }
0x3d: {  	_ =	shalt  }
0x3e: {  	_ =	shalt  }
0x3f: {  	_ =	shalt  }
0x40: {  	_ =	shalt  }
0x41: {  	_ =	shalt  }
0x42: {  	_ =	shalt  }
0x43: {  	_ =	shalt  }
0x44: {  	_ =	shalt  }
0x45: {  	_ =	shalt  }
0x46: {  	_ =	shalt  }
0x47: {  	_ =	shalt  }
0x48: {  	_ =	shalt  }
0x49: {  	_ =	shalt  }
0x4a: {  	_ =	shalt  }
0x4b: {  	_ =	shalt  }
0x4c: {  	_ =	shalt  }
0x4d: {  	_ =	shalt  }
0x4e: {  	_ =	shalt  }
0x4f: {  	_ =	shalt  }
0x50: {  	_ =	shalt  }
0x51: {  	_ =	shalt  }
0x52: {  	_ =	shalt  }
0x53: {  	_ =	shalt  }
0x54: {  	_ =	shalt  }
0x55: {  	_ =	shalt  }
0x56: {  	_ =	shalt  }
0x57: {  	_ =	shalt  }
0x58: {  	_ =	shalt  }
0x59: {  	_ =	shalt  }
0x5a: {  	_ =	shalt  }
0x5b: {  	_ =	shalt  }
0x5c: {  	_ =	shalt  }
0x5d: {  	_ =	shalt  }
0x5e: {  	_ =	shalt  }
0x5f: {  	_ =	shalt  }
0x60: {  	_ =	shalt  }
0x61: {  	_ =	shalt  }
0x62: {  	_ =	shalt  }
0x63: {  	_ =	shalt  }
0x64: {  	_ =	shalt  }
0x65: {  	_ =	shalt  }
0x66: {  	_ =	shalt  }
0x67: {  	_ =	shalt  }
0x68: {  	_ =	shalt  }
0x69: {  	_ =	shalt  }
0x6a: {  	_ =	shalt  }
0x6b: {  	_ =	shalt  }
0x6c: {  	_ =	shalt  }
0x6d: {  	_ =	shalt  }
0x6e: {  	_ =	shalt  }
0x6f: {  	_ =	shalt  }
0x70: {  	_ =	shalt  }
0x71: {  	_ =	shalt  }
0x72: {  	_ =	shalt  }
0x73: {  	_ =	shalt  }
0x74: {  	_ =	shalt  }
0x75: {  	_ =	shalt  }
0x76: {  	_ =	shalt  }
0x77: {  	_ =	shalt  }
0x78: {  	_ =	shalt  }
0x79: {  	_ =	shalt  }
0x7a: {  	_ =	shalt  }
0x7b: {  	_ =	shalt  }
0x7c: {  	_ =	shalt  }
0x7d: {  	_ =	shalt  }
0x7e: {  	_ =	shalt  }
0x7f: {  	_ =	shalt  }
0x80: {  	_ =	shalt  }
0x81: {  	_ =	shalt  }
0x82: {  	_ =	shalt  }
0x83: {  	_ =	shalt  }
0x84: {  	_ =	shalt  }
0x85: {  	_ =	shalt  }
0x86: {  	_ =	shalt  }
0x87: {  	_ =	shalt  }
.Lfunc_end0:
.L_simem_size_0:
called_computation_lowered:
.L_overlay_start_0:
0x88: {  	s0 =	sld [smem:$0x3FD9]  }
0x89: {  	s1 =	sld [smem:$0x3FFE];
	_ =	sdelay $0x3  }
0x8a: {  	s0 =	sadd.s32 s1, s0  }
0x8b: {  	[smem:$0x3FBE] =	sst s0  }
0x8c: {  	_ = 	snop  }
0x8d: {  	s0 =	sld [smem:$0x3FD0];
	_ =	sdelay $0x2  }
0x8e: {  	s13 =	simm.s32 $0xA;
	s2 =	simm.s32 $0x10  }
0x8f: {  	[smem:s2], [sflag:s13] =	dma.local [hbm:s0], $0x1  }
0x90: {  	_ =	swait.eq [sflag:s13], $0x1  }
0x91: {  	[sflag:s13] =	ssyncset.done $0x0  }
0x92: {  	s14 =	sld [smem:$0x12];
	[sflag:s13] =	ssyncadd.s32 $0xFFFFFFFF  }
0x93: {  	s15 =	sld [smem:$0x14];
	(tm) =	ssettm $0x1  }
0x94: {  	s16 =	sld [smem:$0x3FFB];
	_ =	sdelay $0x3  }
0x95: {  	_ =	strace s16  }
0x96: {  	s2 =	sld [smem:$0x3FFC];
	_ =	sdelay $0x3  }
0x97: {  	_ =	strace s2  }
0x98: {  	s2 =	sld [smem:$0x3FFD];
	_ =	sdelay $0x3  }
0x99: {  	_ =	strace s2  }
0x9a: {  	_ =	strace $0x8FFFFFFF  }
0x9b: {  	s17 =	sld [smem:$0x3FDB];
	_ =	sdelay $0x1  }
0x9c: {  	s3 =	simm.s32 $_scs_section_size  }
0x9d: {  	s4 =	simm.s32 $_size__tile_overlayer_lowered;
	s5 =	simm.s32 $_tile_overlayer_lowered  }
0x9e: {  	s20 =	simm.s32 $0x1BFF;
	s19 =	sshll.u32 s5, $0x1;
	s2 =	sadd.s32 s3, s17  }
0x9f: {  	s6 =	simm.s32 $0x0;
	s18 =	sshll.u32 s4, $0x1;
	s4 =	sadd.s32 s19, s2  }
0xa0: {  	[timem:s6], [sflag:s20] =	dma.local [hbm:s4], s18  }
0xa1: {  	_ =	swait.ge [sflag:s20], s18  }
0xa2: {  	s3 =	ssub.s32 $0x0, s18;
	[sflag:s20] =	ssyncset.done $0x0  }
0xa3: {  	[sflag:s20] =	ssyncadd.s32 s3;
	_ =	sdelay $0x1  }
0xa4: {  	s21 =	simm.s32 $0x1B8B  }
0xa5: {  	_ =	swait.ge [sflag:s21], $0x1  }
0xa6: {  	[sflag:s21] =	ssyncset.done $0x0  }
0xa7: {  	s23 =	simm.s32 $0x1B8E;
	s22 =	sld [smem:$0x3FFE];
	[sflag:s21] =	ssyncadd.s32 $0xFFFFFFFF  }
0xa8: {  	s24 =	simm.s32 $execute0_lowered;
	[smem:$0x3FD2] =	sst s23  }
0xa9: {  	s4 =	sshll.u32 s24, $0x1;
	_ =	strace $0x80000046;
	[dreg:$0x1] =	wrdreg $0xFFFFFFFF  }
0xaa: {  	s25 =	simm.s32 $_size_execute0_lowered;
	s2 =	sadd.s32 s2, s4;
	[dreg:$0x0] =	wrdreg $0x0  }
0xab: {  	s4 =	sshll.u32 s25, $0x1;
	[dreg:$0x2] =	wrdreg s2  }
0xac: {  	[dreg:$0x3] =	wrdreg s4  }
0xad: {  	[dreg:$0x4] =	wrdreg $0xC0  }
0xae: {  	_ =	task [dreg:s6], $0x5FFFF  }
0xaf: {  	[dreg:$0x1] =	wrdreg $0xFFFFFFFF  }
0xb0: {  	[dreg:$0x0] =	wrdreg $0x60  }
0xb1: {  	[dreg:$0x2] =	wrdreg s15  }
0xb2: {  	[dreg:$0x3] =	wrdreg s14  }
0xb3: {  	[dreg:$0x4] =	wrdreg s22  }
0xb4: {  	[dreg:$0x5] =	wrdreg $0x9  }
0xb5: {  	_ =	task.clear_ibuf [dreg:s6], $0x6FFFF;
	_ =	strace $0x90000046  }
0xb6: {  	s26 =	simm.s32 $0x9;
	_ =	strace $0x80000048  }
0xb7: {  	_ =	swait.ge [sflag:s26], $0x1  }
0xb8: {  	[sflag:s26] =	ssyncadd.s32 $0xFFFFFFFF  }
0xb9: {  	_ =	strace $0x90000048  }
0xba: {  	_ =	sfence  }
0xbb: {  	s28 =	sld [smem:$0x0];
	_ =	sdelay $0x1  }
0xbc: {  	s29 =	srdreg.scid  }
0xbd: {  	s30 =	sshll.u32 s29, $0xD;
	s31 =	sshrl.u32 s29, $0x2  }
0xbe: {  	s1 =	sand.u32 $0x1, s29;
	s2 =	sand.u32 $0x4000, s30;
	s0 =	sadd.s32 s31, s28  }
0xbf: {  	s1 =	sor.u32 s2, s1;
	s0 =	sshll.u32 s0, $0x11  }
0xc0: {  	s0 =	sor.u32 s0, s1  }
0xc1: {  	s0 =	sadd.s32 $0x8F2B, s0  }
0xc2: {  	[sflag:s0] =	ssyncadd.remote.s32 $0x1  }
0xc3: {  	_ =	sfence.sel $0xFFFF  }
0xc4: {  	[dreg:$0x0] =	wrdreg $0xFFFFFFFF;
	(pc) =	sbr.abs _section_cstart, $3  }
0xc5: {  	[dreg:$0x1] =	wrdreg $0xFFFFFFFF  }
0xc6: {  	_ =	task.clear_ibuf [dreg:s6], $0x2FFFF;
	_ =	strace $0x9FFFFFFF  }
0xc7: {  	(tm) =	ssettm $0x7FFFFFFF  }
tec
execute0_lowered:
.L_overlay_start_1:
0x0: {  	(tag) =	ssettag $0x1  }
0x1: {  	s6 =	rddreg [dreg:$0x0]  }
0x2: {  	s4 =	rddreg [dreg:$0x1]  }
0x3: {  	s3 =	rddreg [dreg:$0x2];
	s2 =	simm.s32 $0x0;
	s1 =	stileid.u32  }
0x4: {  	[smem:$0x7FF] =	sst s2;
	s5 =	sshll.u32 s1, $0x8  }
0x5: {  	s0 =	rddreg [dreg:$0x3];
	_ =	strace $0x80000047;
	s4 =	sadd.s32 s4, s5  }
0x6: {  	[tilespmem:s2], [sflag:$0x2] =	stream.linear.gather [hbm4b:s4+s2], $0x800, $0x38;
	[tilespmem:$0x8800] =	vst v63  }
0x7: {  	s4 =	simm.s32 $0x2  }
0x8: {  	_ =	swait.ge [sflag:s4], $0x800  }
0x9: {  	[sflag:s4] =	ssyncset.done $0x0  }
0xa: {  	s7 =	simm.s32 $0x80;
	s5 =	simm.s32 $0x800;
	[sflag:s4] =	ssyncadd.s32 $0xFFFFF800  }
0xb: {  	[tilespmem:s5], [sflag:$0x1] =	stream.indirect.gather [hbm4b:s6+s7], $0x10, s2, s7, $0xb8;
	[tilespmem:$0x8800] =	vst v63  }
0xc: {  	s8 =	simm.s32 $0x1000  }
0xd: {  	[tilespmem:s8], [sflag:$0x1] =	stream.indirect.gather [hbm4b:s6+s7], $0x10, s7, s7, $0xb8;
	[tilespmem:$0x8800] =	vst v63  }
0xe: {  	s24 =	simm.s32 $0x100;
	s9 =	simm.s32 $0x1800  }
0xf: {  	[tilespmem:s9], [sflag:$0x1] =	stream.indirect.gather [hbm4b:s6+s7], $0x10, s24, s7, $0xb8;
	[tilespmem:$0x8800] =	vst v63  }
0x10: {  	s25 =	simm.s32 $0x180;
	s26 =	simm.s32 $0x2000  }
0x11: {  	[tilespmem:s26], [sflag:$0x1] =	stream.indirect.gather [hbm4b:s6+s7], $0x10, s25, s7, $0xb8;
	[tilespmem:$0x8800] =	vst v63  }
0x12: {  	s28 =	simm.s32 $0x200;
	s29 =	simm.s32 $0x2800  }
0x13: {  	[tilespmem:s29], [sflag:$0x1] =	stream.indirect.gather [hbm4b:s6+s7], $0x10, s28, s7, $0xb8;
	[tilespmem:$0x8800] =	vst v63  }
0x14: {  	s30 =	simm.s32 $0x280;
	s31 =	simm.s32 $0x3000  }
0x15: {  	[tilespmem:s31], [sflag:$0x1] =	stream.indirect.gather [hbm4b:s6+s7], $0x10, s30, s7, $0xb8;
	[tilespmem:$0x8800] =	vst v63  }
0x16: {  	s10 =	simm.s32 $0x3800;
	s9 =	simm.s32 $0x300  }
0x17: {  	[tilespmem:s10], [sflag:$0x1] =	stream.indirect.gather [hbm4b:s6+s7], $0x10, s9, s7, $0xb8;
	[tilespmem:$0x8800] =	vst v63  }
0x18: {  	s11 =	simm.s32 $0x380;
	s12 =	simm.s32 $0x4000  }
0x19: {  	[tilespmem:s12], [sflag:$0x1] =	stream.indirect.gather [hbm4b:s6+s7], $0x10, s11, s7, $0xb8;
	[tilespmem:$0x8800] =	vst v63  }
0x1a: {  	s13 =	simm.s32 $0x400;
	s14 =	simm.s32 $0x4800  }
0x1b: {  	[tilespmem:s14], [sflag:$0x1] =	stream.indirect.gather [hbm4b:s6+s7], $0x10, s13, s7, $0xb8;
	[tilespmem:$0x8800] =	vst v63  }
0x1c: {  	s15 =	simm.s32 $0x480;
	s16 =	simm.s32 $0x5000  }
0x1d: {  	[tilespmem:s16], [sflag:$0x1] =	stream.indirect.gather [hbm4b:s6+s7], $0x10, s15, s7, $0xb8;
	[tilespmem:$0x8800] =	vst v63  }
0x1e: {  	s17 =	simm.s32 $0x500;
	s18 =	simm.s32 $0x5800  }
0x1f: {  	[tilespmem:s18], [sflag:$0x1] =	stream.indirect.gather [hbm4b:s6+s7], $0x10, s17, s7, $0xb8;
	[tilespmem:$0x8800] =	vst v63  }
0x20: {  	s19 =	simm.s32 $0x580;
	s20 =	simm.s32 $0x6000  }
0x21: {  	[tilespmem:s20], [sflag:$0x1] =	stream.indirect.gather [hbm4b:s6+s7], $0x10, s19, s7, $0xb8;
	[tilespmem:$0x8800] =	vst v63  }
0x22: {  	s21 =	simm.s32 $0x600;
	s22 =	simm.s32 $0x6800  }
0x23: {  	[tilespmem:s22], [sflag:$0x1] =	stream.indirect.gather [hbm4b:s6+s7], $0x10, s21, s7, $0xb8;
	[tilespmem:$0x8800] =	vst v63  }
0x24: {  	s23 =	simm.s32 $0x680;
	s24 =	simm.s32 $0x7000  }
0x25: {  	[tilespmem:s24], [sflag:$0x1] =	stream.indirect.gather [hbm4b:s6+s7], $0x10, s23, s7, $0xb8;
	[tilespmem:$0x8800] =	vst v63  }
0x26: {  	s25 =	simm.s32 $0x700;
	s26 =	simm.s32 $0x7800  }
0x27: {  	[tilespmem:s26], [sflag:$0x1] =	stream.indirect.gather [hbm4b:s6+s7], $0x10, s25, s7, $0xb8;
	[tilespmem:$0x8800] =	vst v63  }
0x28: {  	s28 =	simm.s32 $0x780;
	s29 =	simm.s32 $0x8000;
	s30 =	simm.s32 $0x1  }
0x29: {  	[tilespmem:s29], [sflag:$0x1] =	stream.indirect.gather [hbm4b:s6+s7], $0x10, s28, s7, $0xb8;
	[tilespmem:$0x8800] =	vst v63  }
0x2a: {  	_ =	swait.ge [sflag:s30], $0x800  }
0x2b: {  	[sflag:s30] =	ssyncset.done $0x0  }
0x2c: {  	[sflag:s30] =	ssyncadd.s32 $0xFFFFF800  }
0x2d: {  	_ =	swait.ge [sflag:s30], $0x800  }
0x2e: {  	[sflag:s30] =	ssyncset.done $0x0  }
0x2f: {  	[sflag:s30] =	ssyncadd.s32 $0xFFFFF800  }
0x30: {  	_ =	swait.ge [sflag:s30], $0x800  }
0x31: {  	[sflag:s30] =	ssyncset.done $0x0  }
0x32: {  	[sflag:s30] =	ssyncadd.s32 $0xFFFFF800  }
0x33: {  	_ =	swait.ge [sflag:s30], $0x800  }
0x34: {  	[sflag:s30] =	ssyncset.done $0x0  }
0x35: {  	[sflag:s30] =	ssyncadd.s32 $0xFFFFF800  }
0x36: {  	_ =	swait.ge [sflag:s30], $0x800  }
0x37: {  	[sflag:s30] =	ssyncset.done $0x0  }
0x38: {  	[sflag:s30] =	ssyncadd.s32 $0xFFFFF800  }
0x39: {  	_ =	swait.ge [sflag:s30], $0x800  }
0x3a: {  	[sflag:s30] =	ssyncset.done $0x0  }
0x3b: {  	[sflag:s30] =	ssyncadd.s32 $0xFFFFF800  }
0x3c: {  	_ =	swait.ge [sflag:s30], $0x800  }
0x3d: {  	[sflag:s30] =	ssyncset.done $0x0  }
0x3e: {  	[sflag:s30] =	ssyncadd.s32 $0xFFFFF800  }
0x3f: {  	_ =	swait.ge [sflag:s30], $0x800  }
0x40: {  	[sflag:s30] =	ssyncset.done $0x0  }
0x41: {  	[sflag:s30] =	ssyncadd.s32 $0xFFFFF800  }
0x42: {  	_ =	swait.ge [sflag:s30], $0x800  }
0x43: {  	[sflag:s30] =	ssyncset.done $0x0  }
0x44: {  	[sflag:s30] =	ssyncadd.s32 $0xFFFFF800  }
0x45: {  	_ =	swait.ge [sflag:s30], $0x800  }
0x46: {  	[sflag:s30] =	ssyncset.done $0x0  }
0x47: {  	[sflag:s30] =	ssyncadd.s32 $0xFFFFF800  }
0x48: {  	_ =	swait.ge [sflag:s30], $0x800  }
0x49: {  	[sflag:s30] =	ssyncset.done $0x0  }
0x4a: {  	[sflag:s30] =	ssyncadd.s32 $0xFFFFF800  }
0x4b: {  	_ =	swait.ge [sflag:s30], $0x800  }
0x4c: {  	[sflag:s30] =	ssyncset.done $0x0  }
0x4d: {  	[sflag:s30] =	ssyncadd.s32 $0xFFFFF800  }
0x4e: {  	_ =	swait.ge [sflag:s30], $0x800  }
0x4f: {  	[sflag:s30] =	ssyncset.done $0x0  }
0x50: {  	[sflag:s30] =	ssyncadd.s32 $0xFFFFF800  }
0x51: {  	_ =	swait.ge [sflag:s30], $0x800  }
0x52: {  	[sflag:s30] =	ssyncset.done $0x0  }
0x53: {  	[sflag:s30] =	ssyncadd.s32 $0xFFFFF800  }
0x54: {  	_ =	swait.ge [sflag:s30], $0x800  }
0x55: {  	[sflag:s30] =	ssyncset.done $0x0  }
0x56: {  	[sflag:s30] =	ssyncadd.s32 $0xFFFFF800  }
0x57: {  	s31 =	sshll.u32 s1, $0xC;
	_ =	swait.ge [sflag:s30], $0x800  }
0x58: {  	s3 =	sadd.s32 s31, s3;
	[sflag:s30] =	ssyncset.done $0x0  }
0x59: {  	s3 =	sadd.s32 $0x2000, s3;
	[sflag:s30] =	ssyncadd.s32 $0xFFFFF800  }
0x5a: {  	[hbm4b:s3+s2] =	stream.linear.scatter [tilespmem:s5], [sflag:$0x2], $0x8000, $0x38;
	[tilespmem:$0x8800] =	vst v63  }
0x5b: {  	_ =	swait.ge [sflag:s4], $0x8000  }
0x5c: {  	[sflag:s4] =	ssyncset.done $0x0  }
0x5d: {  	[sflag:s4] =	ssyncadd.s32 $0xFFFF8000  }
0x5e: {  	_ =	sfence.sel $0x180000  }
0x5f: {  	[bflag:$0x0] =	sbarrier.arrive $0xFFFF  }
0x60: {  	p0 =	sne.s32 s1, $0x0;
	_ =	strace $0x90000047  }
0x61: {  	s0 =	sadd.s32 @!p0 $0x100000, s0;
	[bflag:$0x2] =	sbarrier.arrive $0xFFFF  }
0x62: {  	[sflag:s0] =	ssyncadd.tile.s32 @!p0 $0x1;
	_ =	shalt  }
.Lfunc_end2:
_tile_overlayer_lowered:
.L_overlay_start_2:
0x63: {  	(tag) =	ssettag $0x2  }
0x64: {  	s0 =	rddreg [dreg:$0x0];
	s2 =	stileid.u32  }
0x65: {  	s1 =	rddreg [dreg:$0x1];
	p0 =	sne.s32 s2, $0x0  }
0x66: {  	s3 =	rddreg [dreg:$0x2];
	[bflag:$0x3] =	sbarrier.arrive $0xFFFF;
	s2 =	simm.s32 @!p0 $0x1C02  }
0x67: {  	[timem:s3], [sflag:s2] =	dma.local @!p0 [hbm:s0], s1  }
0x68: {  	s0 =	simm.s32 @!p0 $0x2  }
0x69: {  	_ =	swait.ge @!p0 [sflag:s0], s1  }
0x6a: {  	s1 =	ssub.s32 @!p0 $0x0, s1;
	[sflag:s0] =	ssyncset.done @!p0 $0x0  }
0x6b: {  	[sflag:s0] =	ssyncadd.s32 @!p0 s1  }
0x6c: {  	[bflag:$0x3] =	sbarrier.arrive $0xFFFF  }
0x6d: {  	_ =	shalt  }

</sc_bundles>
